<compile_context>
chip_gen: v7x
topology: tpu7x:2x2x1
jax: 0.10.2.dev20260603
libtpu: 0.0.44.dev20260713+nightly
codegen_flags: <defaults>
</compile_context>

<pallas_src>
import functools
import math

import jax
import jax.numpy as jnp
from jax import lax
from jax.experimental import pallas as pl
from jax.experimental.pallas import tpu as pltpu
from jax.experimental.pallas import tpu_sc as plsc

EMBED_DIM = 64
PAD_DIM = 128
SCALE = math.sqrt(EMBED_DIM)

NUM_CORES = 2
NUM_SUBCORES = 16
NUM_WORKERS = NUM_CORES * NUM_SUBCORES
LANES = 16

CHUNK = 200
ROWS_PER_ITER = 4


def _make_kernel(batch: int):
    assert batch % NUM_WORKERS == 0
    rows_per_worker = batch // NUM_WORKERS
    assert rows_per_worker % (2 * CHUNK) == 0
    n_chunks = rows_per_worker // CHUNK

    mesh = plsc.VectorSubcoreMesh(
        core_axis_name="c", subcore_axis_name="s"
    )

    @functools.partial(
        pl.kernel,
        mesh=mesh,
        out_type=jax.ShapeDtypeStruct((batch, EMBED_DIM), jnp.float32),
        scratch_types=[
            pltpu.VMEM((CHUNK,), jnp.int32),
            pltpu.VMEM((CHUNK,), jnp.int32),
            pltpu.VMEM((CHUNK, PAD_DIM), jnp.float32),
            pltpu.VMEM((CHUNK, PAD_DIM), jnp.float32),
            pltpu.VMEM((CHUNK, EMBED_DIM), jnp.float32),
            pltpu.VMEM((CHUNK, EMBED_DIM), jnp.float32),
            pltpu.SemaphoreType.DMA,
            pltpu.SemaphoreType.DMA,
            pltpu.SemaphoreType.DMA,
            pltpu.SemaphoreType.DMA,
        ],
    )
    def emb_kernel(x_hbm, table_hbm, out_hbm, idx0, idx1, rw0, rw1,
                   rn0, rn1, sg0, sg1, ss0, ss1):
        wid = lax.axis_index("s") * NUM_CORES + lax.axis_index("c")
        base = wid * rows_per_worker

        idx_v = (idx0, idx1)
        wide_v = (rw0, rw1)
        narrow_v = (rn0, rn1)
        sg = (sg0, sg1)
        ss = (ss0, ss1)

        def start_gather(c, bf):
            off = base + c * CHUNK
            pltpu.sync_copy(x_hbm.at[pl.ds(off, CHUNK)], idx_v[bf])
            pltpu.async_copy(table_hbm.at[idx_v[bf]], wide_v[bf], sg[bf])

        def wait_gather(bf):
            pltpu.make_async_copy(
                table_hbm.at[idx_v[bf]], wide_v[bf], sg[bf]
            ).wait()

        def start_store(c, bf):
            off = base + c * CHUNK
            pltpu.async_copy(
                narrow_v[bf], out_hbm.at[pl.ds(off, CHUNK)], ss[bf]
            )

        def wait_store(bf):
            pltpu.make_async_copy(
                narrow_v[bf], out_hbm.at[pl.ds(base, CHUNK)], ss[bf]
            ).wait()

        def scale_rows(bf):
            wv = wide_v[bf]
            nv = narrow_v[bf]

            def body(r0, carry):
                r = r0 * ROWS_PER_ITER
                for dr in range(ROWS_PER_ITER):
                    for q in range(EMBED_DIM // LANES):
                        sl = wv[r + dr, pl.ds(q * LANES, LANES)]
                        nv[r + dr, pl.ds(q * LANES, LANES)] = sl * SCALE
                return carry

            lax.fori_loop(0, CHUNK // ROWS_PER_ITER, body, 0)

        start_gather(0, 0)

        def pair_body(p, carry):
            for b2 in range(2):
                c = p * 2 + b2
                bf = b2
                nb = 1 - b2

                @pl.when(c + 1 < n_chunks)
                def _():
                    start_gather(c + 1, nb)

                wait_gather(bf)

                @pl.when(c >= 2)
                def _():
                    wait_store(bf)

                scale_rows(bf)
                start_store(c, bf)
            return carry

        lax.fori_loop(0, n_chunks // 2, pair_body, 0)
        wait_store(0)
        wait_store(1)

    return emb_kernel


def kernel(x, table):
    b, h = x.shape
    batch = b * h
    xf = x.reshape(batch)
    tpad = jnp.pad(table, ((0, 0), (0, PAD_DIM - EMBED_DIM)))
    out = _make_kernel(batch)(xf, tpad)
    return out.reshape(b, h, EMBED_DIM)

# --- scband reference (transcript-rebuilt; emitter-appended) ---
"""Pipeline reference for scband-embeddings-17334488006683 (READ-ONLY COPY).

The authoritative reference and input builder live on the scoring server;
editing this copy changes nothing except your own understanding.
"""

import jax, jax.numpy as jnp
import numpy as np
import math

VOCAB = 1000000
EMBED_DIM = 64
BATCH = 4096
HIST_LEN = 200

def setup_inputs(seed: int = 0) -> dict:
    key = jax.random.key(seed)
    k1, k2 = jax.random.split(key)
    x = jax.random.randint(k1, (BATCH, HIST_LEN), 0, VOCAB, dtype=jnp.int64 if jax.config.jax_enable_x64 else jnp.int32)
    table = jax.random.normal(k2, (VOCAB, EMBED_DIM), dtype=jnp.float32)
    return {"x": x, "table": table}

def reference(x, table):
    # Embeddings.forward: embedding(x) * sqrt(embedding_dim)
    emb = jnp.take(table, x, axis=0)
    return emb * math.sqrt(EMBED_DIM)

if __name__ == "__main__":
    import jax
    _d = setup_inputs()
    print(jax.jit(kernel)(*tuple(_d.values())))

</pallas_src>

<mosaic_0001>
#map = affine_map<(d0, d1) -> (0)>
#map1 = affine_map<(d0, d1) -> (0, 0)>
module attributes {stable_mosaic.version = 14 : i64} {
  func.func @emb_kernel(%arg0: i32, %arg1: i32, %arg2: memref<819200xi32, #tpu.memory_space<hbm>>, %arg3: memref<1000000x128xf32, #tpu.memory_space<hbm>>, %arg4: memref<819200x64xf32, #tpu.memory_space<hbm>>, %arg5: memref<200xi32, #tpu.memory_space<vmem>>, %arg6: memref<200xi32, #tpu.memory_space<vmem>>, %arg7: memref<200x128xf32, #tpu.memory_space<vmem>>, %arg8: memref<200x128xf32, #tpu.memory_space<vmem>>, %arg9: memref<200x64xf32, #tpu.memory_space<vmem>>, %arg10: memref<200x64xf32, #tpu.memory_space<vmem>>, %arg11: memref<!tpu.dma_semaphore, #tpu.memory_space<semaphore_mem>>, %arg12: memref<!tpu.dma_semaphore, #tpu.memory_space<semaphore_mem>>, %arg13: memref<!tpu.dma_semaphore, #tpu.memory_space<semaphore_mem>>, %arg14: memref<!tpu.dma_semaphore, #tpu.memory_space<semaphore_mem>>) attributes {dimension_semantics = [#tpu.dimension_semantics<core_parallel>, #tpu.dimension_semantics<subcore_parallel>], iteration_bounds = array<i64: 2, 16>, scalar_prefetch = 0 : i64, scratch_operands = 10 : i64, tpu.core_type = #tpu.core_type<sc_vector_subcore>, window_params = [{transform_indices = #map}, {transform_indices = #map1}, {transform_indices = #map1}]} {
    %mul3A = arith.constant 2 : i32
    %mul3A_0 = arith.muli %arg1, %mul3A : i32
    %add3A = arith.addi %mul3A_0, %arg0 : i32
    %mul3A_1 = arith.constant 25600 : i32
    %mul3A_2 = arith.muli %add3A, %mul3A_1 : i32
    %add3A_3 = arith.constant 0 : i32
    %add3A_4 = arith.addi %mul3A_2, %add3A_3 : i32
    "tpu.region"() ({
      %run_scoped3A = tpu.sem_alloc : memref<!tpu.dma_semaphore, #tpu.memory_space<semaphore_mem>>
      %dma_start3A_19 = tpu.memref_slice %arg2[%add3A_4] : memref<819200xi32, #tpu.memory_space<hbm>> -> memref<200xi32, #tpu.memory_space<hbm>>
      %dma_start3A_20 = tpu.memref_slice %arg2[%add3A_4] : memref<819200xi32, #tpu.memory_space<hbm>> -> memref<200xi32, #tpu.memory_space<hbm>>
      tpu.enqueue_dma source(%dma_start3A_20 : memref<200xi32, #tpu.memory_space<hbm>>) target(%arg5 : memref<200xi32, #tpu.memory_space<vmem>>) target_semaphore(%run_scoped3A : memref<!tpu.dma_semaphore, #tpu.memory_space<semaphore_mem>>)
      %dma_wait3A_21 = tpu.memref_slice %arg2[%add3A_4] : memref<819200xi32, #tpu.memory_space<hbm>> -> memref<200xi32, #tpu.memory_space<hbm>>
      %dma_wait3A_22 = tpu.memref_slice %arg2[%add3A_4] : memref<819200xi32, #tpu.memory_space<hbm>> -> memref<200xi32, #tpu.memory_space<hbm>>
      tpu.wait_dma2 semaphore(%run_scoped3A : memref<!tpu.dma_semaphore, #tpu.memory_space<semaphore_mem>>) src(%dma_wait3A_22 : memref<200xi32, #tpu.memory_space<hbm>>) dst(%arg5 : memref<200xi32, #tpu.memory_space<vmem>>)
      tpu.yield
    }) : () -> ()
    %dma_start3A = arith.constant 0 : i32
    %dma_start3A_5 = arith.constant 0 : i32
    %dma_start3A_6 = tpu.memref_slice %arg3[%dma_start3A, %dma_start3A_5] : memref<1000000x128xf32, #tpu.memory_space<hbm>> -> memref<1000000x128xf32, #tpu.memory_space<hbm>>
    tpu.enqueue_indirect_dma source(%dma_start3A_6 : memref<1000000x128xf32, #tpu.memory_space<hbm>>) target(%arg7 : memref<200x128xf32, #tpu.memory_space<vmem>>) offsets(%arg5 : memref<200xi32, #tpu.memory_space<vmem>>) semaphore(%arg11 : memref<!tpu.dma_semaphore, #tpu.memory_space<semaphore_mem>>)
    %scan3A = arith.constant 0 : i32
    %scan3A_7 = arith.constant 0 : i32
    %scan3A_8 = arith.constant 64 : i32
    %scan3A_9 = arith.addi %scan3A_7, %scan3A_8 : i32
    %scan3A_10 = arith.constant 1 : i32
    scf.for %scan3A_19 = %scan3A_7 to %scan3A_9 step %scan3A_10  : i32 {
      %mul3A_20 = arith.constant 2 : i32
      %mul3A_21 = arith.muli %scan3A_19, %mul3A_20 : i32
      %add3A_22 = arith.constant 0 : i32
      %add3A_23 = arith.addi %mul3A_21, %add3A_22 : i32
      %add3A_24 = arith.constant 1 : i32
      %add3A_25 = arith.addi %add3A_23, %add3A_24 : i32
      %lt3A = arith.constant 128 : i32
      %lt3A_26 = arith.cmpi slt, %add3A_25, %lt3A : i32
      %convert_element_type3A = arith.extui %lt3A_26 : i1 to i32
      %cond3A = arith.constant 0 : i32
      %cond3A_27 = arith.cmpi ne, %convert_element_type3A, %cond3A : i32
      scf.if %cond3A_27 {
        %add3A_80 = arith.constant 1 : i32
        %add3A_81 = arith.addi %add3A_23, %add3A_80 : i32
        %mul3A_82 = arith.constant 200 : i32
        %mul3A_83 = arith.muli %add3A_81, %mul3A_82 : i32
        %add3A_84 = arith.addi %mul3A_2, %mul3A_83 : i32
        "tpu.region"() ({
          %run_scoped3A = tpu.sem_alloc : memref<!tpu.dma_semaphore, #tpu.memory_space<semaphore_mem>>
          %dma_start3A_88 = tpu.memref_slice %arg2[%add3A_84] : memref<819200xi32, #tpu.memory_space<hbm>> -> memref<200xi32, #tpu.memory_space<hbm>>
          %dma_start3A_89 = tpu.memref_slice %arg2[%add3A_84] : memref<819200xi32, #tpu.memory_space<hbm>> -> memref<200xi32, #tpu.memory_space<hbm>>
          tpu.enqueue_dma source(%dma_start3A_89 : memref<200xi32, #tpu.memory_space<hbm>>) target(%arg6 : memref<200xi32, #tpu.memory_space<vmem>>) target_semaphore(%run_scoped3A : memref<!tpu.dma_semaphore, #tpu.memory_space<semaphore_mem>>)
          %dma_wait3A_90 = tpu.memref_slice %arg2[%add3A_84] : memref<819200xi32, #tpu.memory_space<hbm>> -> memref<200xi32, #tpu.memory_space<hbm>>
          %dma_wait3A_91 = tpu.memref_slice %arg2[%add3A_84] : memref<819200xi32, #tpu.memory_space<hbm>> -> memref<200xi32, #tpu.memory_space<hbm>>
          tpu.wait_dma2 semaphore(%run_scoped3A : memref<!tpu.dma_semaphore, #tpu.memory_space<semaphore_mem>>) src(%dma_wait3A_91 : memref<200xi32, #tpu.memory_space<hbm>>) dst(%arg6 : memref<200xi32, #tpu.memory_space<vmem>>)
          tpu.yield
        }) : () -> ()
        %dma_start3A_85 = arith.constant 0 : i32
        %dma_start3A_86 = arith.constant 0 : i32
        %dma_start3A_87 = tpu.memref_slice %arg3[%dma_start3A_85, %dma_start3A_86] : memref<1000000x128xf32, #tpu.memory_space<hbm>> -> memref<1000000x128xf32, #tpu.memory_space<hbm>>
        tpu.enqueue_indirect_dma source(%dma_start3A_87 : memref<1000000x128xf32, #tpu.memory_space<hbm>>) target(%arg8 : memref<200x128xf32, #tpu.memory_space<vmem>>) offsets(%arg6 : memref<200xi32, #tpu.memory_space<vmem>>) semaphore(%arg12 : memref<!tpu.dma_semaphore, #tpu.memory_space<semaphore_mem>>)
      } else {
      }
      %dma_wait3A_28 = arith.constant 0 : i32
      %dma_wait3A_29 = arith.constant 0 : i32
      %dma_wait3A_30 = tpu.memref_slice %arg3[%dma_wait3A_28, %dma_wait3A_29] : memref<1000000x128xf32, #tpu.memory_space<hbm>> -> memref<1000000x128xf32, #tpu.memory_space<hbm>>
      tpu.wait_indirect_dma semaphore(%arg11 : memref<!tpu.dma_semaphore, #tpu.memory_space<semaphore_mem>>) src(%dma_wait3A_30 : memref<1000000x128xf32, #tpu.memory_space<hbm>>) dst(%arg7 : memref<200x128xf32, #tpu.memory_space<vmem>>)
      %ge3A = arith.constant 2 : i32
      %ge3A_31 = arith.cmpi sge, %add3A_23, %ge3A : i32
      %convert_element_type3A_32 = arith.extui %ge3A_31 : i1 to i32
      %cond3A_33 = arith.constant 0 : i32
      %cond3A_34 = arith.cmpi ne, %convert_element_type3A_32, %cond3A_33 : i32
      scf.if %cond3A_34 {
        %dma_wait3A_80 = arith.constant 0 : i32
        %dma_wait3A_81 = tpu.memref_slice %arg4[%mul3A_2, %dma_wait3A_80] : memref<819200x64xf32, #tpu.memory_space<hbm>> -> memref<200x64xf32, #tpu.memory_space<hbm>>
        %dma_wait3A_82 = arith.constant 0 : i32
        %dma_wait3A_83 = tpu.memref_slice %arg4[%mul3A_2, %dma_wait3A_82] : memref<819200x64xf32, #tpu.memory_space<hbm>> -> memref<200x64xf32, #tpu.memory_space<hbm>>
        tpu.wait_dma2 semaphore(%arg13 : memref<!tpu.dma_semaphore, #tpu.memory_space<semaphore_mem>>) src(%arg9 : memref<200x64xf32, #tpu.memory_space<vmem>>) dst(%dma_wait3A_83 : memref<200x64xf32, #tpu.memory_space<hbm>>)
      } else {
      }
      %scan3A_35 = arith.constant 0 : i32
      %scan3A_36 = arith.constant 0 : i32
      %scan3A_37 = arith.constant 50 : i32
      %scan3A_38 = arith.addi %scan3A_36, %scan3A_37 : i32
      %scan3A_39 = arith.constant 1 : i32
      scf.for %scan3A_80 = %scan3A_36 to %scan3A_38 step %scan3A_39  : i32 {
        %mul3A_81 = arith.constant 4 : i32
        %mul3A_82 = arith.muli %scan3A_80, %mul3A_81 : i32
        %add3A_83 = arith.constant 0 : i32
        %add3A_84 = arith.addi %mul3A_82, %add3A_83 : i32
        %get3A = arith.index_cast %add3A_84 : i32 to index
        %get3A_85 = arith.constant 0 : index
        %get3A_86 = tpu.vector_load %arg7[%get3A, %get3A_85] {strides = array<i32>} : memref<200x128xf32, #tpu.memory_space<vmem>>, vector<1x16xf32>,
        %get3A_87 = vector.shape_cast %get3A_86 : vector<1x16xf32> to vector<16xf32>
        %mul3A_88 = arith.constant 8.000000e+00 : f32
        %mul3A_89 = vector.broadcast %mul3A_88 : f32 to vector<16xf32>
        %mul3A_90 = arith.mulf %get3A_87, %mul3A_89 : vector<16xf32>
        %add3A_91 = arith.constant 0 : i32
        %add3A_92 = arith.addi %mul3A_82, %add3A_91 : i32
        %swap3A = arith.index_cast %add3A_92 : i32 to index
        %swap3A_93 = arith.constant 0 : index
        %swap3A_94 = tpu.vector_load %arg9[%swap3A, %swap3A_93] {strides = array<i32>} : memref<200x64xf32, #tpu.memory_space<vmem>>, vector<1x16xf32>,
        %swap3A_95 = vector.shape_cast %swap3A_94 : vector<1x16xf32> to vector<16xf32>
        %swap3A_96 = vector.shape_cast %mul3A_90 : vector<16xf32> to vector<1x16xf32>
        tpu.vector_store %arg9[%swap3A, %swap3A_93], %swap3A_96 {strides = array<i32>} : memref<200x64xf32, #tpu.memory_space<vmem>>, vector<1x16xf32>,
        %add3A_97 = arith.constant 0 : i32
        %add3A_98 = arith.addi %mul3A_82, %add3A_97 : i32
        %get3A_99 = arith.index_cast %add3A_98 : i32 to index
        %get3A_100 = arith.constant 16 : index
        %get3A_101 = tpu.vector_load %arg7[%get3A_99, %get3A_100] {strides = array<i32>} : memref<200x128xf32, #tpu.memory_space<vmem>>, vector<1x16xf32>,
        %get3A_102 = vector.shape_cast %get3A_101 : vector<1x16xf32> to vector<16xf32>
        %mul3A_103 = arith.constant 8.000000e+00 : f32
        %mul3A_104 = vector.broadcast %mul3A_103 : f32 to vector<16xf32>
        %mul3A_105 = arith.mulf %get3A_102, %mul3A_104 : vector<16xf32>
        %add3A_106 = arith.constant 0 : i32
        %add3A_107 = arith.addi %mul3A_82, %add3A_106 : i32
        %swap3A_108 = arith.index_cast %add3A_107 : i32 to index
        %swap3A_109 = arith.constant 16 : index
        %swap3A_110 = tpu.vector_load %arg9[%swap3A_108, %swap3A_109] {strides = array<i32>} : memref<200x64xf32, #tpu.memory_space<vmem>>, vector<1x16xf32>,
        %swap3A_111 = vector.shape_cast %swap3A_110 : vector<1x16xf32> to vector<16xf32>
        %swap3A_112 = vector.shape_cast %mul3A_105 : vector<16xf32> to vector<1x16xf32>
        tpu.vector_store %arg9[%swap3A_108, %swap3A_109], %swap3A_112 {strides = array<i32>} : memref<200x64xf32, #tpu.memory_space<vmem>>, vector<1x16xf32>,
        %add3A_113 = arith.constant 0 : i32
        %add3A_114 = arith.addi %mul3A_82, %add3A_113 : i32
        %get3A_115 = arith.index_cast %add3A_114 : i32 to index
        %get3A_116 = arith.constant 32 : index
        %get3A_117 = tpu.vector_load %arg7[%get3A_115, %get3A_116] {strides = array<i32>} : memref<200x128xf32, #tpu.memory_space<vmem>>, vector<1x16xf32>,
        %get3A_118 = vector.shape_cast %get3A_117 : vector<1x16xf32> to vector<16xf32>
        %mul3A_119 = arith.constant 8.000000e+00 : f32
        %mul3A_120 = vector.broadcast %mul3A_119 : f32 to vector<16xf32>
        %mul3A_121 = arith.mulf %get3A_118, %mul3A_120 : vector<16xf32>
        %add3A_122 = arith.constant 0 : i32
        %add3A_123 = arith.addi %mul3A_82, %add3A_122 : i32
        %swap3A_124 = arith.index_cast %add3A_123 : i32 to index
        %swap3A_125 = arith.constant 32 : index
        %swap3A_126 = tpu.vector_load %arg9[%swap3A_124, %swap3A_125] {strides = array<i32>} : memref<200x64xf32, #tpu.memory_space<vmem>>, vector<1x16xf32>,
        %swap3A_127 = vector.shape_cast %swap3A_126 : vector<1x16xf32> to vector<16xf32>
        %swap3A_128 = vector.shape_cast %mul3A_121 : vector<16xf32> to vector<1x16xf32>
        tpu.vector_store %arg9[%swap3A_124, %swap3A_125], %swap3A_128 {strides = array<i32>} : memref<200x64xf32, #tpu.memory_space<vmem>>, vector<1x16xf32>,
        %add3A_129 = arith.constant 0 : i32
        %add3A_130 = arith.addi %mul3A_82, %add3A_129 : i32
        %get3A_131 = arith.index_cast %add3A_130 : i32 to index
        %get3A_132 = arith.constant 48 : index
        %get3A_133 = tpu.vector_load %arg7[%get3A_131, %get3A_132] {strides = array<i32>} : memref<200x128xf32, #tpu.memory_space<vmem>>, vector<1x16xf32>,
        %get3A_134 = vector.shape_cast %get3A_133 : vector<1x16xf32> to vector<16xf32>
        %mul3A_135 = arith.constant 8.000000e+00 : f32
        %mul3A_136 = vector.broadcast %mul3A_135 : f32 to vector<16xf32>
        %mul3A_137 = arith.mulf %get3A_134, %mul3A_136 : vector<16xf32>
        %add3A_138 = arith.constant 0 : i32
        %add3A_139 = arith.addi %mul3A_82, %add3A_138 : i32
        %swap3A_140 = arith.index_cast %add3A_139 : i32 to index
        %swap3A_141 = arith.constant 48 : index
        %swap3A_142 = tpu.vector_load %arg9[%swap3A_140, %swap3A_141] {strides = array<i32>} : memref<200x64xf32, #tpu.memory_space<vmem>>, vector<1x16xf32>,
        %swap3A_143 = vector.shape_cast %swap3A_142 : vector<1x16xf32> to vector<16xf32>
        %swap3A_144 = vector.shape_cast %mul3A_137 : vector<16xf32> to vector<1x16xf32>
        tpu.vector_store %arg9[%swap3A_140, %swap3A_141], %swap3A_144 {strides = array<i32>} : memref<200x64xf32, #tpu.memory_space<vmem>>, vector<1x16xf32>,
        %add3A_145 = arith.constant 1 : i32
        %add3A_146 = arith.addi %mul3A_82, %add3A_145 : i32
        %get3A_147 = arith.index_cast %add3A_146 : i32 to index
        %get3A_148 = arith.constant 0 : index
        %get3A_149 = tpu.vector_load %arg7[%get3A_147, %get3A_148] {strides = array<i32>} : memref<200x128xf32, #tpu.memory_space<vmem>>, vector<1x16xf32>,
        %get3A_150 = vector.shape_cast %get3A_149 : vector<1x16xf32> to vector<16xf32>
        %mul3A_151 = arith.constant 8.000000e+00 : f32
        %mul3A_152 = vector.broadcast %mul3A_151 : f32 to vector<16xf32>
        %mul3A_153 = arith.mulf %get3A_150, %mul3A_152 : vector<16xf32>
        %add3A_154 = arith.constant 1 : i32
        %add3A_155 = arith.addi %mul3A_82, %add3A_154 : i32
        %swap3A_156 = arith.index_cast %add3A_155 : i32 to index
        %swap3A_157 = arith.constant 0 : index
        %swap3A_158 = tpu.vector_load %arg9[%swap3A_156, %swap3A_157] {strides = array<i32>} : memref<200x64xf32, #tpu.memory_space<vmem>>, vector<1x16xf32>,
        %swap3A_159 = vector.shape_cast %swap3A_158 : vector<1x16xf32> to vector<16xf32>
        %swap3A_160 = vector.shape_cast %mul3A_153 : vector<16xf32> to vector<1x16xf32>
        tpu.vector_store %arg9[%swap3A_156, %swap3A_157], %swap3A_160 {strides = array<i32>} : memref<200x64xf32, #tpu.memory_space<vmem>>, vector<1x16xf32>,
        %add3A_161 = arith.constant 1 : i32
        %add3A_162 = arith.addi %mul3A_82, %add3A_161 : i32
        %get3A_163 = arith.index_cast %add3A_162 : i32 to index
        %get3A_164 = arith.constant 16 : index
        %get3A_165 = tpu.vector_load %arg7[%get3A_163, %get3A_164] {strides = array<i32>} : memref<200x128xf32, #tpu.memory_space<vmem>>, vector<1x16xf32>,
        %get3A_166 = vector.shape_cast %get3A_165 : vector<1x16xf32> to vector<16xf32>
        %mul3A_167 = arith.constant 8.000000e+00 : f32
        %mul3A_168 = vector.broadcast %mul3A_167 : f32 to vector<16xf32>
        %mul3A_169 = arith.mulf %get3A_166, %mul3A_168 : vector<16xf32>
        %add3A_170 = arith.constant 1 : i32
        %add3A_171 = arith.addi %mul3A_82, %add3A_170 : i32
        %swap3A_172 = arith.index_cast %add3A_171 : i32 to index
        %swap3A_173 = arith.constant 16 : index
        %swap3A_174 = tpu.vector_load %arg9[%swap3A_172, %swap3A_173] {strides = array<i32>} : memref<200x64xf32, #tpu.memory_space<vmem>>, vector<1x16xf32>,
        %swap3A_175 = vector.shape_cast %swap3A_174 : vector<1x16xf32> to vector<16xf32>
        %swap3A_176 = vector.shape_cast %mul3A_169 : vector<16xf32> to vector<1x16xf32>
        tpu.vector_store %arg9[%swap3A_172, %swap3A_173], %swap3A_176 {strides = array<i32>} : memref<200x64xf32, #tpu.memory_space<vmem>>, vector<1x16xf32>,
        %add3A_177 = arith.constant 1 : i32
        %add3A_178 = arith.addi %mul3A_82, %add3A_177 : i32
        %get3A_179 = arith.index_cast %add3A_178 : i32 to index
        %get3A_180 = arith.constant 32 : index
        %get3A_181 = tpu.vector_load %arg7[%get3A_179, %get3A_180] {strides = array<i32>} : memref<200x128xf32, #tpu.memory_space<vmem>>, vector<1x16xf32>,
        %get3A_182 = vector.shape_cast %get3A_181 : vector<1x16xf32> to vector<16xf32>
        %mul3A_183 = arith.constant 8.000000e+00 : f32
        %mul3A_184 = vector.broadcast %mul3A_183 : f32 to vector<16xf32>
        %mul3A_185 = arith.mulf %get3A_182, %mul3A_184 : vector<16xf32>
        %add3A_186 = arith.constant 1 : i32
        %add3A_187 = arith.addi %mul3A_82, %add3A_186 : i32
        %swap3A_188 = arith.index_cast %add3A_187 : i32 to index
        %swap3A_189 = arith.constant 32 : index
        %swap3A_190 = tpu.vector_load %arg9[%swap3A_188, %swap3A_189] {strides = array<i32>} : memref<200x64xf32, #tpu.memory_space<vmem>>, vector<1x16xf32>,
        %swap3A_191 = vector.shape_cast %swap3A_190 : vector<1x16xf32> to vector<16xf32>
        %swap3A_192 = vector.shape_cast %mul3A_185 : vector<16xf32> to vector<1x16xf32>
        tpu.vector_store %arg9[%swap3A_188, %swap3A_189], %swap3A_192 {strides = array<i32>} : memref<200x64xf32, #tpu.memory_space<vmem>>, vector<1x16xf32>,
        %add3A_193 = arith.constant 1 : i32
        %add3A_194 = arith.addi %mul3A_82, %add3A_193 : i32
        %get3A_195 = arith.index_cast %add3A_194 : i32 to index
        %get3A_196 = arith.constant 48 : index
        %get3A_197 = tpu.vector_load %arg7[%get3A_195, %get3A_196] {strides = array<i32>} : memref<200x128xf32, #tpu.memory_space<vmem>>, vector<1x16xf32>,
        %get3A_198 = vector.shape_cast %get3A_197 : vector<1x16xf32> to vector<16xf32>
        %mul3A_199 = arith.constant 8.000000e+00 : f32
        %mul3A_200 = vector.broadcast %mul3A_199 : f32 to vector<16xf32>
        %mul3A_201 = arith.mulf %get3A_198, %mul3A_200 : vector<16xf32>
        %add3A_202 = arith.constant 1 : i32
        %add3A_203 = arith.addi %mul3A_82, %add3A_202 : i32
        %swap3A_204 = arith.index_cast %add3A_203 : i32 to index
        %swap3A_205 = arith.constant 48 : index
        %swap3A_206 = tpu.vector_load %arg9[%swap3A_204, %swap3A_205] {strides = array<i32>} : memref<200x64xf32, #tpu.memory_space<vmem>>, vector<1x16xf32>,
        %swap3A_207 = vector.shape_cast %swap3A_206 : vector<1x16xf32> to vector<16xf32>
        %swap3A_208 = vector.shape_cast %mul3A_201 : vector<16xf32> to vector<1x16xf32>
        tpu.vector_store %arg9[%swap3A_204, %swap3A_205], %swap3A_208 {strides = array<i32>} : memref<200x64xf32, #tpu.memory_space<vmem>>, vector<1x16xf32>,
        %add3A_209 = arith.constant 2 : i32
        %add3A_210 = arith.addi %mul3A_82, %add3A_209 : i32
        %get3A_211 = arith.index_cast %add3A_210 : i32 to index
        %get3A_212 = arith.constant 0 : index
        %get3A_213 = tpu.vector_load %arg7[%get3A_211, %get3A_212] {strides = array<i32>} : memref<200x128xf32, #tpu.memory_space<vmem>>, vector<1x16xf32>,
        %get3A_214 = vector.shape_cast %get3A_213 : vector<1x16xf32> to vector<16xf32>
        %mul3A_215 = arith.constant 8.000000e+00 : f32
        %mul3A_216 = vector.broadcast %mul3A_215 : f32 to vector<16xf32>
        %mul3A_217 = arith.mulf %get3A_214, %mul3A_216 : vector<16xf32>
        %add3A_218 = arith.constant 2 : i32
        %add3A_219 = arith.addi %mul3A_82, %add3A_218 : i32
        %swap3A_220 = arith.index_cast %add3A_219 : i32 to index
        %swap3A_221 = arith.constant 0 : index
        %swap3A_222 = tpu.vector_load %arg9[%swap3A_220, %swap3A_221] {strides = array<i32>} : memref<200x64xf32, #tpu.memory_space<vmem>>, vector<1x16xf32>,
        %swap3A_223 = vector.shape_cast %swap3A_222 : vector<1x16xf32> to vector<16xf32>
        %swap3A_224 = vector.shape_cast %mul3A_217 : vector<16xf32> to vector<1x16xf32>
        tpu.vector_store %arg9[%swap3A_220, %swap3A_221], %swap3A_224 {strides = array<i32>} : memref<200x64xf32, #tpu.memory_space<vmem>>, vector<1x16xf32>,
        %add3A_225 = arith.constant 2 : i32
        %add3A_226 = arith.addi %mul3A_82, %add3A_225 : i32
        %get3A_227 = arith.index_cast %add3A_226 : i32 to index
        %get3A_228 = arith.constant 16 : index
        %get3A_229 = tpu.vector_load %arg7[%get3A_227, %get3A_228] {strides = array<i32>} : memref<200x128xf32, #tpu.memory_space<vmem>>, vector<1x16xf32>,
        %get3A_230 = vector.shape_cast %get3A_229 : vector<1x16xf32> to vector<16xf32>
        %mul3A_231 = arith.constant 8.000000e+00 : f32
        %mul3A_232 = vector.broadcast %mul3A_231 : f32 to vector<16xf32>
        %mul3A_233 = arith.mulf %get3A_230, %mul3A_232 : vector<16xf32>
        %add3A_234 = arith.constant 2 : i32
        %add3A_235 = arith.addi %mul3A_82, %add3A_234 : i32
        %swap3A_236 = arith.index_cast %add3A_235 : i32 to index
        %swap3A_237 = arith.constant 16 : index
        %swap3A_238 = tpu.vector_load %arg9[%swap3A_236, %swap3A_237] {strides = array<i32>} : memref<200x64xf32, #tpu.memory_space<vmem>>, vector<1x16xf32>,
        %swap3A_239 = vector.shape_cast %swap3A_238 : vector<1x16xf32> to vector<16xf32>
        %swap3A_240 = vector.shape_cast %mul3A_233 : vector<16xf32> to vector<1x16xf32>
        tpu.vector_store %arg9[%swap3A_236, %swap3A_237], %swap3A_240 {strides = array<i32>} : memref<200x64xf32, #tpu.memory_space<vmem>>, vector<1x16xf32>,
        %add3A_241 = arith.constant 2 : i32
        %add3A_242 = arith.addi %mul3A_82, %add3A_241 : i32
        %get3A_243 = arith.index_cast %add3A_242 : i32 to index
        %get3A_244 = arith.constant 32 : index
        %get3A_245 = tpu.vector_load %arg7[%get3A_243, %get3A_244] {strides = array<i32>} : memref<200x128xf32, #tpu.memory_space<vmem>>, vector<1x16xf32>,
        %get3A_246 = vector.shape_cast %get3A_245 : vector<1x16xf32> to vector<16xf32>
        %mul3A_247 = arith.constant 8.000000e+00 : f32
        %mul3A_248 = vector.broadcast %mul3A_247 : f32 to vector<16xf32>
        %mul3A_249 = arith.mulf %get3A_246, %mul3A_248 : vector<16xf32>
        %add3A_250 = arith.constant 2 : i32
        %add3A_251 = arith.addi %mul3A_82, %add3A_250 : i32
        %swap3A_252 = arith.index_cast %add3A_251 : i32 to index
        %swap3A_253 = arith.constant 32 : index
        %swap3A_254 = tpu.vector_load %arg9[%swap3A_252, %swap3A_253] {strides = array<i32>} : memref<200x64xf32, #tpu.memory_space<vmem>>, vector<1x16xf32>,
        %swap3A_255 = vector.shape_cast %swap3A_254 : vector<1x16xf32> to vector<16xf32>
        %swap3A_256 = vector.shape_cast %mul3A_249 : vector<16xf32> to vector<1x16xf32>
        tpu.vector_store %arg9[%swap3A_252, %swap3A_253], %swap3A_256 {strides = array<i32>} : memref<200x64xf32, #tpu.memory_space<vmem>>, vector<1x16xf32>,
        %add3A_257 = arith.constant 2 : i32
        %add3A_258 = arith.addi %mul3A_82, %add3A_257 : i32
        %get3A_259 = arith.index_cast %add3A_258 : i32 to index
        %get3A_260 = arith.constant 48 : index
        %get3A_261 = tpu.vector_load %arg7[%get3A_259, %get3A_260] {strides = array<i32>} : memref<200x128xf32, #tpu.memory_space<vmem>>, vector<1x16xf32>,
        %get3A_262 = vector.shape_cast %get3A_261 : vector<1x16xf32> to vector<16xf32>
        %mul3A_263 = arith.constant 8.000000e+00 : f32
        %mul3A_264 = vector.broadcast %mul3A_263 : f32 to vector<16xf32>
        %mul3A_265 = arith.mulf %get3A_262, %mul3A_264 : vector<16xf32>
        %add3A_266 = arith.constant 2 : i32
        %add3A_267 = arith.addi %mul3A_82, %add3A_266 : i32
        %swap3A_268 = arith.index_cast %add3A_267 : i32 to index
        %swap3A_269 = arith.constant 48 : index
        %swap3A_270 = tpu.vector_load %arg9[%swap3A_268, %swap3A_269] {strides = array<i32>} : memref<200x64xf32, #tpu.memory_space<vmem>>, vector<1x16xf32>,
        %swap3A_271 = vector.shape_cast %swap3A_270 : vector<1x16xf32> to vector<16xf32>
        %swap3A_272 = vector.shape_cast %mul3A_265 : vector<16xf32> to vector<1x16xf32>
        tpu.vector_store %arg9[%swap3A_268, %swap3A_269], %swap3A_272 {strides = array<i32>} : memref<200x64xf32, #tpu.memory_space<vmem>>, vector<1x16xf32>,
        %add3A_273 = arith.constant 3 : i32
        %add3A_274 = arith.addi %mul3A_82, %add3A_273 : i32
        %get3A_275 = arith.index_cast %add3A_274 : i32 to index
        %get3A_276 = arith.constant 0 : index
        %get3A_277 = tpu.vector_load %arg7[%get3A_275, %get3A_276] {strides = array<i32>} : memref<200x128xf32, #tpu.memory_space<vmem>>, vector<1x16xf32>,
        %get3A_278 = vector.shape_cast %get3A_277 : vector<1x16xf32> to vector<16xf32>
        %mul3A_279 = arith.constant 8.000000e+00 : f32
        %mul3A_280 = vector.broadcast %mul3A_279 : f32 to vector<16xf32>
        %mul3A_281 = arith.mulf %get3A_278, %mul3A_280 : vector<16xf32>
        %add3A_282 = arith.constant 3 : i32
        %add3A_283 = arith.addi %mul3A_82, %add3A_282 : i32
        %swap3A_284 = arith.index_cast %add3A_283 : i32 to index
        %swap3A_285 = arith.constant 0 : index
        %swap3A_286 = tpu.vector_load %arg9[%swap3A_284, %swap3A_285] {strides = array<i32>} : memref<200x64xf32, #tpu.memory_space<vmem>>, vector<1x16xf32>,
        %swap3A_287 = vector.shape_cast %swap3A_286 : vector<1x16xf32> to vector<16xf32>
        %swap3A_288 = vector.shape_cast %mul3A_281 : vector<16xf32> to vector<1x16xf32>
        tpu.vector_store %arg9[%swap3A_284, %swap3A_285], %swap3A_288 {strides = array<i32>} : memref<200x64xf32, #tpu.memory_space<vmem>>, vector<1x16xf32>,
        %add3A_289 = arith.constant 3 : i32
        %add3A_290 = arith.addi %mul3A_82, %add3A_289 : i32
        %get3A_291 = arith.index_cast %add3A_290 : i32 to index
        %get3A_292 = arith.constant 16 : index
        %get3A_293 = tpu.vector_load %arg7[%get3A_291, %get3A_292] {strides = array<i32>} : memref<200x128xf32, #tpu.memory_space<vmem>>, vector<1x16xf32>,
        %get3A_294 = vector.shape_cast %get3A_293 : vector<1x16xf32> to vector<16xf32>
        %mul3A_295 = arith.constant 8.000000e+00 : f32
        %mul3A_296 = vector.broadcast %mul3A_295 : f32 to vector<16xf32>
        %mul3A_297 = arith.mulf %get3A_294, %mul3A_296 : vector<16xf32>
        %add3A_298 = arith.constant 3 : i32
        %add3A_299 = arith.addi %mul3A_82, %add3A_298 : i32
        %swap3A_300 = arith.index_cast %add3A_299 : i32 to index
        %swap3A_301 = arith.constant 16 : index
        %swap3A_302 = tpu.vector_load %arg9[%swap3A_300, %swap3A_301] {strides = array<i32>} : memref<200x64xf32, #tpu.memory_space<vmem>>, vector<1x16xf32>,
        %swap3A_303 = vector.shape_cast %swap3A_302 : vector<1x16xf32> to vector<16xf32>
        %swap3A_304 = vector.shape_cast %mul3A_297 : vector<16xf32> to vector<1x16xf32>
        tpu.vector_store %arg9[%swap3A_300, %swap3A_301], %swap3A_304 {strides = array<i32>} : memref<200x64xf32, #tpu.memory_space<vmem>>, vector<1x16xf32>,
        %add3A_305 = arith.constant 3 : i32
        %add3A_306 = arith.addi %mul3A_82, %add3A_305 : i32
        %get3A_307 = arith.index_cast %add3A_306 : i32 to index
        %get3A_308 = arith.constant 32 : index
        %get3A_309 = tpu.vector_load %arg7[%get3A_307, %get3A_308] {strides = array<i32>} : memref<200x128xf32, #tpu.memory_space<vmem>>, vector<1x16xf32>,
        %get3A_310 = vector.shape_cast %get3A_309 : vector<1x16xf32> to vector<16xf32>
        %mul3A_311 = arith.constant 8.000000e+00 : f32
        %mul3A_312 = vector.broadcast %mul3A_311 : f32 to vector<16xf32>
        %mul3A_313 = arith.mulf %get3A_310, %mul3A_312 : vector<16xf32>
        %add3A_314 = arith.constant 3 : i32
        %add3A_315 = arith.addi %mul3A_82, %add3A_314 : i32
        %swap3A_316 = arith.index_cast %add3A_315 : i32 to index
        %swap3A_317 = arith.constant 32 : index
        %swap3A_318 = tpu.vector_load %arg9[%swap3A_316, %swap3A_317] {strides = array<i32>} : memref<200x64xf32, #tpu.memory_space<vmem>>, vector<1x16xf32>,
        %swap3A_319 = vector.shape_cast %swap3A_318 : vector<1x16xf32> to vector<16xf32>
        %swap3A_320 = vector.shape_cast %mul3A_313 : vector<16xf32> to vector<1x16xf32>
        tpu.vector_store %arg9[%swap3A_316, %swap3A_317], %swap3A_320 {strides = array<i32>} : memref<200x64xf32, #tpu.memory_space<vmem>>, vector<1x16xf32>,
        %add3A_321 = arith.constant 3 : i32
        %add3A_322 = arith.addi %mul3A_82, %add3A_321 : i32
        %get3A_323 = arith.index_cast %add3A_322 : i32 to index
        %get3A_324 = arith.constant 48 : index
        %get3A_325 = tpu.vector_load %arg7[%get3A_323, %get3A_324] {strides = array<i32>} : memref<200x128xf32, #tpu.memory_space<vmem>>, vector<1x16xf32>,
        %get3A_326 = vector.shape_cast %get3A_325 : vector<1x16xf32> to vector<16xf32>
        %mul3A_327 = arith.constant 8.000000e+00 : f32
        %mul3A_328 = vector.broadcast %mul3A_327 : f32 to vector<16xf32>
        %mul3A_329 = arith.mulf %get3A_326, %mul3A_328 : vector<16xf32>
        %add3A_330 = arith.constant 3 : i32
        %add3A_331 = arith.addi %mul3A_82, %add3A_330 : i32
        %swap3A_332 = arith.index_cast %add3A_331 : i32 to index
        %swap3A_333 = arith.constant 48 : index
        %swap3A_334 = tpu.vector_load %arg9[%swap3A_332, %swap3A_333] {strides = array<i32>} : memref<200x64xf32, #tpu.memory_space<vmem>>, vector<1x16xf32>,
        %swap3A_335 = vector.shape_cast %swap3A_334 : vector<1x16xf32> to vector<16xf32>
        %swap3A_336 = vector.shape_cast %mul3A_329 : vector<16xf32> to vector<1x16xf32>
        tpu.vector_store %arg9[%swap3A_332, %swap3A_333], %swap3A_336 {strides = array<i32>} : memref<200x64xf32, #tpu.memory_space<vmem>>, vector<1x16xf32>,
      }
      %scan3A_40 = arith.constant 50 : i32
      %mul3A_41 = arith.constant 200 : i32
      %mul3A_42 = arith.muli %add3A_23, %mul3A_41 : i32
      %add3A_43 = arith.addi %mul3A_2, %mul3A_42 : i32
      %dma_start3A_44 = arith.constant 0 : i32
      %dma_start3A_45 = tpu.memref_slice %arg4[%add3A_43, %dma_start3A_44] : memref<819200x64xf32, #tpu.memory_space<hbm>> -> memref<200x64xf32, #tpu.memory_space<hbm>>
      %dma_start3A_46 = arith.constant 0 : i32
      %dma_start3A_47 = tpu.memref_slice %arg4[%add3A_43, %dma_start3A_46] : memref<819200x64xf32, #tpu.memory_space<hbm>> -> memref<200x64xf32, #tpu.memory_space<hbm>>
      tpu.enqueue_dma source(%arg9 : memref<200x64xf32, #tpu.memory_space<vmem>>) target(%dma_start3A_47 : memref<200x64xf32, #tpu.memory_space<hbm>>) target_semaphore(%arg13 : memref<!tpu.dma_semaphore, #tpu.memory_space<semaphore_mem>>)
      %mul3A_48 = arith.constant 2 : i32
      %mul3A_49 = arith.muli %scan3A_19, %mul3A_48 : i32
      %add3A_50 = arith.constant 1 : i32
      %add3A_51 = arith.addi %mul3A_49, %add3A_50 : i32
      %add3A_52 = arith.constant 1 : i32
      %add3A_53 = arith.addi %add3A_51, %add3A_52 : i32
      %lt3A_54 = arith.constant 128 : i32
      %lt3A_55 = arith.cmpi slt, %add3A_53, %lt3A_54 : i32
      %convert_element_type3A_56 = arith.extui %lt3A_55 : i1 to i32
      %cond3A_57 = arith.constant 0 : i32
      %cond3A_58 = arith.cmpi ne, %convert_element_type3A_56, %cond3A_57 : i32
      scf.if %cond3A_58 {
        %add3A_80 = arith.constant 1 : i32
        %add3A_81 = arith.addi %add3A_51, %add3A_80 : i32
        %mul3A_82 = arith.constant 200 : i32
        %mul3A_83 = arith.muli %add3A_81, %mul3A_82 : i32
        %add3A_84 = arith.addi %mul3A_2, %mul3A_83 : i32
        "tpu.region"() ({
          %run_scoped3A = tpu.sem_alloc : memref<!tpu.dma_semaphore, #tpu.memory_space<semaphore_mem>>
          %dma_start3A_88 = tpu.memref_slice %arg2[%add3A_84] : memref<819200xi32, #tpu.memory_space<hbm>> -> memref<200xi32, #tpu.memory_space<hbm>>
          %dma_start3A_89 = tpu.memref_slice %arg2[%add3A_84] : memref<819200xi32, #tpu.memory_space<hbm>> -> memref<200xi32, #tpu.memory_space<hbm>>
          tpu.enqueue_dma source(%dma_start3A_89 : memref<200xi32, #tpu.memory_space<hbm>>) target(%arg5 : memref<200xi32, #tpu.memory_space<vmem>>) target_semaphore(%run_scoped3A : memref<!tpu.dma_semaphore, #tpu.memory_space<semaphore_mem>>)
          %dma_wait3A_90 = tpu.memref_slice %arg2[%add3A_84] : memref<819200xi32, #tpu.memory_space<hbm>> -> memref<200xi32, #tpu.memory_space<hbm>>
          %dma_wait3A_91 = tpu.memref_slice %arg2[%add3A_84] : memref<819200xi32, #tpu.memory_space<hbm>> -> memref<200xi32, #tpu.memory_space<hbm>>
          tpu.wait_dma2 semaphore(%run_scoped3A : memref<!tpu.dma_semaphore, #tpu.memory_space<semaphore_mem>>) src(%dma_wait3A_91 : memref<200xi32, #tpu.memory_space<hbm>>) dst(%arg5 : memref<200xi32, #tpu.memory_space<vmem>>)
          tpu.yield
        }) : () -> ()
        %dma_start3A_85 = arith.constant 0 : i32
        %dma_start3A_86 = arith.constant 0 : i32
        %dma_start3A_87 = tpu.memref_slice %arg3[%dma_start3A_85, %dma_start3A_86] : memref<1000000x128xf32, #tpu.memory_space<hbm>> -> memref<1000000x128xf32, #tpu.memory_space<hbm>>
        tpu.enqueue_indirect_dma source(%dma_start3A_87 : memref<1000000x128xf32, #tpu.memory_space<hbm>>) target(%arg7 : memref<200x128xf32, #tpu.memory_space<vmem>>) offsets(%arg5 : memref<200xi32, #tpu.memory_space<vmem>>) semaphore(%arg11 : memref<!tpu.dma_semaphore, #tpu.memory_space<semaphore_mem>>)
      } else {
      }
      %dma_wait3A_59 = arith.constant 0 : i32
      %dma_wait3A_60 = arith.constant 0 : i32
      %dma_wait3A_61 = tpu.memref_slice %arg3[%dma_wait3A_59, %dma_wait3A_60] : memref<1000000x128xf32, #tpu.memory_space<hbm>> -> memref<1000000x128xf32, #tpu.memory_space<hbm>>
      tpu.wait_indirect_dma semaphore(%arg12 : memref<!tpu.dma_semaphore, #tpu.memory_space<semaphore_mem>>) src(%dma_wait3A_61 : memref<1000000x128xf32, #tpu.memory_space<hbm>>) dst(%arg8 : memref<200x128xf32, #tpu.memory_space<vmem>>)
      %ge3A_62 = arith.constant 2 : i32
      %ge3A_63 = arith.cmpi sge, %add3A_51, %ge3A_62 : i32
      %convert_element_type3A_64 = arith.extui %ge3A_63 : i1 to i32
      %cond3A_65 = arith.constant 0 : i32
      %cond3A_66 = arith.cmpi ne, %convert_element_type3A_64, %cond3A_65 : i32
      scf.if %cond3A_66 {
        %dma_wait3A_80 = arith.constant 0 : i32
        %dma_wait3A_81 = tpu.memref_slice %arg4[%mul3A_2, %dma_wait3A_80] : memref<819200x64xf32, #tpu.memory_space<hbm>> -> memref<200x64xf32, #tpu.memory_space<hbm>>
        %dma_wait3A_82 = arith.constant 0 : i32
        %dma_wait3A_83 = tpu.memref_slice %arg4[%mul3A_2, %dma_wait3A_82] : memref<819200x64xf32, #tpu.memory_space<hbm>> -> memref<200x64xf32, #tpu.memory_space<hbm>>
        tpu.wait_dma2 semaphore(%arg14 : memref<!tpu.dma_semaphore, #tpu.memory_space<semaphore_mem>>) src(%arg10 : memref<200x64xf32, #tpu.memory_space<vmem>>) dst(%dma_wait3A_83 : memref<200x64xf32, #tpu.memory_space<hbm>>)
      } else {
      }
      %scan3A_67 = arith.constant 0 : i32
      %scan3A_68 = arith.constant 0 : i32
      %scan3A_69 = arith.constant 50 : i32
      %scan3A_70 = arith.addi %scan3A_68, %scan3A_69 : i32
      %scan3A_71 = arith.constant 1 : i32
      scf.for %scan3A_80 = %scan3A_68 to %scan3A_70 step %scan3A_71  : i32 {
        %mul3A_81 = arith.constant 4 : i32
        %mul3A_82 = arith.muli %scan3A_80, %mul3A_81 : i32
        %add3A_83 = arith.constant 0 : i32
        %add3A_84 = arith.addi %mul3A_82, %add3A_83 : i32
        %get3A = arith.index_cast %add3A_84 : i32 to index
        %get3A_85 = arith.constant 0 : index
        %get3A_86 = tpu.vector_load %arg8[%get3A, %get3A_85] {strides = array<i32>} : memref<200x128xf32, #tpu.memory_space<vmem>>, vector<1x16xf32>,
        %get3A_87 = vector.shape_cast %get3A_86 : vector<1x16xf32> to vector<16xf32>
        %mul3A_88 = arith.constant 8.000000e+00 : f32
        %mul3A_89 = vector.broadcast %mul3A_88 : f32 to vector<16xf32>
        %mul3A_90 = arith.mulf %get3A_87, %mul3A_89 : vector<16xf32>
        %add3A_91 = arith.constant 0 : i32
        %add3A_92 = arith.addi %mul3A_82, %add3A_91 : i32
        %swap3A = arith.index_cast %add3A_92 : i32 to index
        %swap3A_93 = arith.constant 0 : index
        %swap3A_94 = tpu.vector_load %arg10[%swap3A, %swap3A_93] {strides = array<i32>} : memref<200x64xf32, #tpu.memory_space<vmem>>, vector<1x16xf32>,
        %swap3A_95 = vector.shape_cast %swap3A_94 : vector<1x16xf32> to vector<16xf32>
        %swap3A_96 = vector.shape_cast %mul3A_90 : vector<16xf32> to vector<1x16xf32>
        tpu.vector_store %arg10[%swap3A, %swap3A_93], %swap3A_96 {strides = array<i32>} : memref<200x64xf32, #tpu.memory_space<vmem>>, vector<1x16xf32>,
        %add3A_97 = arith.constant 0 : i32
        %add3A_98 = arith.addi %mul3A_82, %add3A_97 : i32
        %get3A_99 = arith.index_cast %add3A_98 : i32 to index
        %get3A_100 = arith.constant 16 : index
        %get3A_101 = tpu.vector_load %arg8[%get3A_99, %get3A_100] {strides = array<i32>} : memref<200x128xf32, #tpu.memory_space<vmem>>, vector<1x16xf32>,
        %get3A_102 = vector.shape_cast %get3A_101 : vector<1x16xf32> to vector<16xf32>
        %mul3A_103 = arith.constant 8.000000e+00 : f32
        %mul3A_104 = vector.broadcast %mul3A_103 : f32 to vector<16xf32>
        %mul3A_105 = arith.mulf %get3A_102, %mul3A_104 : vector<16xf32>
        %add3A_106 = arith.constant 0 : i32
        %add3A_107 = arith.addi %mul3A_82, %add3A_106 : i32
        %swap3A_108 = arith.index_cast %add3A_107 : i32 to index
        %swap3A_109 = arith.constant 16 : index
        %swap3A_110 = tpu.vector_load %arg10[%swap3A_108, %swap3A_109] {strides = array<i32>} : memref<200x64xf32, #tpu.memory_space<vmem>>, vector<1x16xf32>,
        %swap3A_111 = vector.shape_cast %swap3A_110 : vector<1x16xf32> to vector<16xf32>
        %swap3A_112 = vector.shape_cast %mul3A_105 : vector<16xf32> to vector<1x16xf32>
        tpu.vector_store %arg10[%swap3A_108, %swap3A_109], %swap3A_112 {strides = array<i32>} : memref<200x64xf32, #tpu.memory_space<vmem>>, vector<1x16xf32>,
        %add3A_113 = arith.constant 0 : i32
        %add3A_114 = arith.addi %mul3A_82, %add3A_113 : i32
        %get3A_115 = arith.index_cast %add3A_114 : i32 to index
        %get3A_116 = arith.constant 32 : index
        %get3A_117 = tpu.vector_load %arg8[%get3A_115, %get3A_116] {strides = array<i32>} : memref<200x128xf32, #tpu.memory_space<vmem>>, vector<1x16xf32>,
        %get3A_118 = vector.shape_cast %get3A_117 : vector<1x16xf32> to vector<16xf32>
        %mul3A_119 = arith.constant 8.000000e+00 : f32
        %mul3A_120 = vector.broadcast %mul3A_119 : f32 to vector<16xf32>
        %mul3A_121 = arith.mulf %get3A_118, %mul3A_120 : vector<16xf32>
        %add3A_122 = arith.constant 0 : i32
        %add3A_123 = arith.addi %mul3A_82, %add3A_122 : i32
        %swap3A_124 = arith.index_cast %add3A_123 : i32 to index
        %swap3A_125 = arith.constant 32 : index
        %swap3A_126 = tpu.vector_load %arg10[%swap3A_124, %swap3A_125] {strides = array<i32>} : memref<200x64xf32, #tpu.memory_space<vmem>>, vector<1x16xf32>,
        %swap3A_127 = vector.shape_cast %swap3A_126 : vector<1x16xf32> to vector<16xf32>
        %swap3A_128 = vector.shape_cast %mul3A_121 : vector<16xf32> to vector<1x16xf32>
        tpu.vector_store %arg10[%swap3A_124, %swap3A_125], %swap3A_128 {strides = array<i32>} : memref<200x64xf32, #tpu.memory_space<vmem>>, vector<1x16xf32>,
        %add3A_129 = arith.constant 0 : i32
        %add3A_130 = arith.addi %mul3A_82, %add3A_129 : i32
        %get3A_131 = arith.index_cast %add3A_130 : i32 to index
        %get3A_132 = arith.constant 48 : index
        %get3A_133 = tpu.vector_load %arg8[%get3A_131, %get3A_132] {strides = array<i32>} : memref<200x128xf32, #tpu.memory_space<vmem>>, vector<1x16xf32>,
        %get3A_134 = vector.shape_cast %get3A_133 : vector<1x16xf32> to vector<16xf32>
        %mul3A_135 = arith.constant 8.000000e+00 : f32
        %mul3A_136 = vector.broadcast %mul3A_135 : f32 to vector<16xf32>
        %mul3A_137 = arith.mulf %get3A_134, %mul3A_136 : vector<16xf32>
        %add3A_138 = arith.constant 0 : i32
        %add3A_139 = arith.addi %mul3A_82, %add3A_138 : i32
        %swap3A_140 = arith.index_cast %add3A_139 : i32 to index
        %swap3A_141 = arith.constant 48 : index
        %swap3A_142 = tpu.vector_load %arg10[%swap3A_140, %swap3A_141] {strides = array<i32>} : memref<200x64xf32, #tpu.memory_space<vmem>>, vector<1x16xf32>,
        %swap3A_143 = vector.shape_cast %swap3A_142 : vector<1x16xf32> to vector<16xf32>
        %swap3A_144 = vector.shape_cast %mul3A_137 : vector<16xf32> to vector<1x16xf32>
        tpu.vector_store %arg10[%swap3A_140, %swap3A_141], %swap3A_144 {strides = array<i32>} : memref<200x64xf32, #tpu.memory_space<vmem>>, vector<1x16xf32>,
        %add3A_145 = arith.constant 1 : i32
        %add3A_146 = arith.addi %mul3A_82, %add3A_145 : i32
        %get3A_147 = arith.index_cast %add3A_146 : i32 to index
        %get3A_148 = arith.constant 0 : index
        %get3A_149 = tpu.vector_load %arg8[%get3A_147, %get3A_148] {strides = array<i32>} : memref<200x128xf32, #tpu.memory_space<vmem>>, vector<1x16xf32>,
        %get3A_150 = vector.shape_cast %get3A_149 : vector<1x16xf32> to vector<16xf32>
        %mul3A_151 = arith.constant 8.000000e+00 : f32
        %mul3A_152 = vector.broadcast %mul3A_151 : f32 to vector<16xf32>
        %mul3A_153 = arith.mulf %get3A_150, %mul3A_152 : vector<16xf32>
        %add3A_154 = arith.constant 1 : i32
        %add3A_155 = arith.addi %mul3A_82, %add3A_154 : i32
        %swap3A_156 = arith.index_cast %add3A_155 : i32 to index
        %swap3A_157 = arith.constant 0 : index
        %swap3A_158 = tpu.vector_load %arg10[%swap3A_156, %swap3A_157] {strides = array<i32>} : memref<200x64xf32, #tpu.memory_space<vmem>>, vector<1x16xf32>,
        %swap3A_159 = vector.shape_cast %swap3A_158 : vector<1x16xf32> to vector<16xf32>
        %swap3A_160 = vector.shape_cast %mul3A_153 : vector<16xf32> to vector<1x16xf32>
        tpu.vector_store %arg10[%swap3A_156, %swap3A_157], %swap3A_160 {strides = array<i32>} : memref<200x64xf32, #tpu.memory_space<vmem>>, vector<1x16xf32>,
        %add3A_161 = arith.constant 1 : i32
        %add3A_162 = arith.addi %mul3A_82, %add3A_161 : i32
        %get3A_163 = arith.index_cast %add3A_162 : i32 to index
        %get3A_164 = arith.constant 16 : index
        %get3A_165 = tpu.vector_load %arg8[%get3A_163, %get3A_164] {strides = array<i32>} : memref<200x128xf32, #tpu.memory_space<vmem>>, vector<1x16xf32>,
        %get3A_166 = vector.shape_cast %get3A_165 : vector<1x16xf32> to vector<16xf32>
        %mul3A_167 = arith.constant 8.000000e+00 : f32
        %mul3A_168 = vector.broadcast %mul3A_167 : f32 to vector<16xf32>
        %mul3A_169 = arith.mulf %get3A_166, %mul3A_168 : vector<16xf32>
        %add3A_170 = arith.constant 1 : i32
        %add3A_171 = arith.addi %mul3A_82, %add3A_170 : i32
        %swap3A_172 = arith.index_cast %add3A_171 : i32 to index
        %swap3A_173 = arith.constant 16 : index
        %swap3A_174 = tpu.vector_load %arg10[%swap3A_172, %swap3A_173] {strides = array<i32>} : memref<200x64xf32, #tpu.memory_space<vmem>>, vector<1x16xf32>,
        %swap3A_175 = vector.shape_cast %swap3A_174 : vector<1x16xf32> to vector<16xf32>
        %swap3A_176 = vector.shape_cast %mul3A_169 : vector<16xf32> to vector<1x16xf32>
        tpu.vector_store %arg10[%swap3A_172, %swap3A_173], %swap3A_176 {strides = array<i32>} : memref<200x64xf32, #tpu.memory_space<vmem>>, vector<1x16xf32>,
        %add3A_177 = arith.constant 1 : i32
        %add3A_178 = arith.addi %mul3A_82, %add3A_177 : i32
        %get3A_179 = arith.index_cast %add3A_178 : i32 to index
        %get3A_180 = arith.constant 32 : index
        %get3A_181 = tpu.vector_load %arg8[%get3A_179, %get3A_180] {strides = array<i32>} : memref<200x128xf32, #tpu.memory_space<vmem>>, vector<1x16xf32>,
        %get3A_182 = vector.shape_cast %get3A_181 : vector<1x16xf32> to vector<16xf32>
        %mul3A_183 = arith.constant 8.000000e+00 : f32
        %mul3A_184 = vector.broadcast %mul3A_183 : f32 to vector<16xf32>
        %mul3A_185 = arith.mulf %get3A_182, %mul3A_184 : vector<16xf32>
        %add3A_186 = arith.constant 1 : i32
        %add3A_187 = arith.addi %mul3A_82, %add3A_186 : i32
        %swap3A_188 = arith.index_cast %add3A_187 : i32 to index
        %swap3A_189 = arith.constant 32 : index
        %swap3A_190 = tpu.vector_load %arg10[%swap3A_188, %swap3A_189] {strides = array<i32>} : memref<200x64xf32, #tpu.memory_space<vmem>>, vector<1x16xf32>,
        %swap3A_191 = vector.shape_cast %swap3A_190 : vector<1x16xf32> to vector<16xf32>
        %swap3A_192 = vector.shape_cast %mul3A_185 : vector<16xf32> to vector<1x16xf32>
        tpu.vector_store %arg10[%swap3A_188, %swap3A_189], %swap3A_192 {strides = array<i32>} : memref<200x64xf32, #tpu.memory_space<vmem>>, vector<1x16xf32>,
        %add3A_193 = arith.constant 1 : i32
        %add3A_194 = arith.addi %mul3A_82, %add3A_193 : i32
        %get3A_195 = arith.index_cast %add3A_194 : i32 to index
        %get3A_196 = arith.constant 48 : index
        %get3A_197 = tpu.vector_load %arg8[%get3A_195, %get3A_196] {strides = array<i32>} : memref<200x128xf32, #tpu.memory_space<vmem>>, vector<1x16xf32>,
        %get3A_198 = vector.shape_cast %get3A_197 : vector<1x16xf32> to vector<16xf32>
        %mul3A_199 = arith.constant 8.000000e+00 : f32
        %mul3A_200 = vector.broadcast %mul3A_199 : f32 to vector<16xf32>
        %mul3A_201 = arith.mulf %get3A_198, %mul3A_200 : vector<16xf32>
        %add3A_202 = arith.constant 1 : i32
        %add3A_203 = arith.addi %mul3A_82, %add3A_202 : i32
        %swap3A_204 = arith.index_cast %add3A_203 : i32 to index
        %swap3A_205 = arith.constant 48 : index
        %swap3A_206 = tpu.vector_load %arg10[%swap3A_204, %swap3A_205] {strides = array<i32>} : memref<200x64xf32, #tpu.memory_space<vmem>>, vector<1x16xf32>,
        %swap3A_207 = vector.shape_cast %swap3A_206 : vector<1x16xf32> to vector<16xf32>
        %swap3A_208 = vector.shape_cast %mul3A_201 : vector<16xf32> to vector<1x16xf32>
        tpu.vector_store %arg10[%swap3A_204, %swap3A_205], %swap3A_208 {strides = array<i32>} : memref<200x64xf32, #tpu.memory_space<vmem>>, vector<1x16xf32>,
        %add3A_209 = arith.constant 2 : i32
        %add3A_210 = arith.addi %mul3A_82, %add3A_209 : i32
        %get3A_211 = arith.index_cast %add3A_210 : i32 to index
        %get3A_212 = arith.constant 0 : index
        %get3A_213 = tpu.vector_load %arg8[%get3A_211, %get3A_212] {strides = array<i32>} : memref<200x128xf32, #tpu.memory_space<vmem>>, vector<1x16xf32>,
        %get3A_214 = vector.shape_cast %get3A_213 : vector<1x16xf32> to vector<16xf32>
        %mul3A_215 = arith.constant 8.000000e+00 : f32
        %mul3A_216 = vector.broadcast %mul3A_215 : f32 to vector<16xf32>
        %mul3A_217 = arith.mulf %get3A_214, %mul3A_216 : vector<16xf32>
        %add3A_218 = arith.constant 2 : i32
        %add3A_219 = arith.addi %mul3A_82, %add3A_218 : i32
        %swap3A_220 = arith.index_cast %add3A_219 : i32 to index
        %swap3A_221 = arith.constant 0 : index
        %swap3A_222 = tpu.vector_load %arg10[%swap3A_220, %swap3A_221] {strides = array<i32>} : memref<200x64xf32, #tpu.memory_space<vmem>>, vector<1x16xf32>,
        %swap3A_223 = vector.shape_cast %swap3A_222 : vector<1x16xf32> to vector<16xf32>
        %swap3A_224 = vector.shape_cast %mul3A_217 : vector<16xf32> to vector<1x16xf32>
        tpu.vector_store %arg10[%swap3A_220, %swap3A_221], %swap3A_224 {strides = array<i32>} : memref<200x64xf32, #tpu.memory_space<vmem>>, vector<1x16xf32>,
        %add3A_225 = arith.constant 2 : i32
        %add3A_226 = arith.addi %mul3A_82, %add3A_225 : i32
        %get3A_227 = arith.index_cast %add3A_226 : i32 to index
        %get3A_228 = arith.constant 16 : index
        %get3A_229 = tpu.vector_load %arg8[%get3A_227, %get3A_228] {strides = array<i32>} : memref<200x128xf32, #tpu.memory_space<vmem>>, vector<1x16xf32>,
        %get3A_230 = vector.shape_cast %get3A_229 : vector<1x16xf32> to vector<16xf32>
        %mul3A_231 = arith.constant 8.000000e+00 : f32
        %mul3A_232 = vector.broadcast %mul3A_231 : f32 to vector<16xf32>
        %mul3A_233 = arith.mulf %get3A_230, %mul3A_232 : vector<16xf32>
        %add3A_234 = arith.constant 2 : i32
        %add3A_235 = arith.addi %mul3A_82, %add3A_234 : i32
        %swap3A_236 = arith.index_cast %add3A_235 : i32 to index
        %swap3A_237 = arith.constant 16 : index
        %swap3A_238 = tpu.vector_load %arg10[%swap3A_236, %swap3A_237] {strides = array<i32>} : memref<200x64xf32, #tpu.memory_space<vmem>>, vector<1x16xf32>,
        %swap3A_239 = vector.shape_cast %swap3A_238 : vector<1x16xf32> to vector<16xf32>
        %swap3A_240 = vector.shape_cast %mul3A_233 : vector<16xf32> to vector<1x16xf32>
        tpu.vector_store %arg10[%swap3A_236, %swap3A_237], %swap3A_240 {strides = array<i32>} : memref<200x64xf32, #tpu.memory_space<vmem>>, vector<1x16xf32>,
        %add3A_241 = arith.constant 2 : i32
        %add3A_242 = arith.addi %mul3A_82, %add3A_241 : i32
        %get3A_243 = arith.index_cast %add3A_242 : i32 to index
        %get3A_244 = arith.constant 32 : index
        %get3A_245 = tpu.vector_load %arg8[%get3A_243, %get3A_244] {strides = array<i32>} : memref<200x128xf32, #tpu.memory_space<vmem>>, vector<1x16xf32>,
        %get3A_246 = vector.shape_cast %get3A_245 : vector<1x16xf32> to vector<16xf32>
        %mul3A_247 = arith.constant 8.000000e+00 : f32
        %mul3A_248 = vector.broadcast %mul3A_247 : f32 to vector<16xf32>
        %mul3A_249 = arith.mulf %get3A_246, %mul3A_248 : vector<16xf32>
        %add3A_250 = arith.constant 2 : i32
        %add3A_251 = arith.addi %mul3A_82, %add3A_250 : i32
        %swap3A_252 = arith.index_cast %add3A_251 : i32 to index
        %swap3A_253 = arith.constant 32 : index
        %swap3A_254 = tpu.vector_load %arg10[%swap3A_252, %swap3A_253] {strides = array<i32>} : memref<200x64xf32, #tpu.memory_space<vmem>>, vector<1x16xf32>,
        %swap3A_255 = vector.shape_cast %swap3A_254 : vector<1x16xf32> to vector<16xf32>
        %swap3A_256 = vector.shape_cast %mul3A_249 : vector<16xf32> to vector<1x16xf32>
        tpu.vector_store %arg10[%swap3A_252, %swap3A_253], %swap3A_256 {strides = array<i32>} : memref<200x64xf32, #tpu.memory_space<vmem>>, vector<1x16xf32>,
        %add3A_257 = arith.constant 2 : i32
        %add3A_258 = arith.addi %mul3A_82, %add3A_257 : i32
        %get3A_259 = arith.index_cast %add3A_258 : i32 to index
        %get3A_260 = arith.constant 48 : index
        %get3A_261 = tpu.vector_load %arg8[%get3A_259, %get3A_260] {strides = array<i32>} : memref<200x128xf32, #tpu.memory_space<vmem>>, vector<1x16xf32>,
        %get3A_262 = vector.shape_cast %get3A_261 : vector<1x16xf32> to vector<16xf32>
        %mul3A_263 = arith.constant 8.000000e+00 : f32
        %mul3A_264 = vector.broadcast %mul3A_263 : f32 to vector<16xf32>
        %mul3A_265 = arith.mulf %get3A_262, %mul3A_264 : vector<16xf32>
        %add3A_266 = arith.constant 2 : i32
        %add3A_267 = arith.addi %mul3A_82, %add3A_266 : i32
        %swap3A_268 = arith.index_cast %add3A_267 : i32 to index
        %swap3A_269 = arith.constant 48 : index
        %swap3A_270 = tpu.vector_load %arg10[%swap3A_268, %swap3A_269] {strides = array<i32>} : memref<200x64xf32, #tpu.memory_space<vmem>>, vector<1x16xf32>,
        %swap3A_271 = vector.shape_cast %swap3A_270 : vector<1x16xf32> to vector<16xf32>
        %swap3A_272 = vector.shape_cast %mul3A_265 : vector<16xf32> to vector<1x16xf32>
        tpu.vector_store %arg10[%swap3A_268, %swap3A_269], %swap3A_272 {strides = array<i32>} : memref<200x64xf32, #tpu.memory_space<vmem>>, vector<1x16xf32>,
        %add3A_273 = arith.constant 3 : i32
        %add3A_274 = arith.addi %mul3A_82, %add3A_273 : i32
        %get3A_275 = arith.index_cast %add3A_274 : i32 to index
        %get3A_276 = arith.constant 0 : index
        %get3A_277 = tpu.vector_load %arg8[%get3A_275, %get3A_276] {strides = array<i32>} : memref<200x128xf32, #tpu.memory_space<vmem>>, vector<1x16xf32>,
        %get3A_278 = vector.shape_cast %get3A_277 : vector<1x16xf32> to vector<16xf32>
        %mul3A_279 = arith.constant 8.000000e+00 : f32
        %mul3A_280 = vector.broadcast %mul3A_279 : f32 to vector<16xf32>
        %mul3A_281 = arith.mulf %get3A_278, %mul3A_280 : vector<16xf32>
        %add3A_282 = arith.constant 3 : i32
        %add3A_283 = arith.addi %mul3A_82, %add3A_282 : i32
        %swap3A_284 = arith.index_cast %add3A_283 : i32 to index
        %swap3A_285 = arith.constant 0 : index
        %swap3A_286 = tpu.vector_load %arg10[%swap3A_284, %swap3A_285] {strides = array<i32>} : memref<200x64xf32, #tpu.memory_space<vmem>>, vector<1x16xf32>,
        %swap3A_287 = vector.shape_cast %swap3A_286 : vector<1x16xf32> to vector<16xf32>
        %swap3A_288 = vector.shape_cast %mul3A_281 : vector<16xf32> to vector<1x16xf32>
        tpu.vector_store %arg10[%swap3A_284, %swap3A_285], %swap3A_288 {strides = array<i32>} : memref<200x64xf32, #tpu.memory_space<vmem>>, vector<1x16xf32>,
        %add3A_289 = arith.constant 3 : i32
        %add3A_290 = arith.addi %mul3A_82, %add3A_289 : i32
        %get3A_291 = arith.index_cast %add3A_290 : i32 to index
        %get3A_292 = arith.constant 16 : index
        %get3A_293 = tpu.vector_load %arg8[%get3A_291, %get3A_292] {strides = array<i32>} : memref<200x128xf32, #tpu.memory_space<vmem>>, vector<1x16xf32>,
        %get3A_294 = vector.shape_cast %get3A_293 : vector<1x16xf32> to vector<16xf32>
        %mul3A_295 = arith.constant 8.000000e+00 : f32
        %mul3A_296 = vector.broadcast %mul3A_295 : f32 to vector<16xf32>
        %mul3A_297 = arith.mulf %get3A_294, %mul3A_296 : vector<16xf32>
        %add3A_298 = arith.constant 3 : i32
        %add3A_299 = arith.addi %mul3A_82, %add3A_298 : i32
        %swap3A_300 = arith.index_cast %add3A_299 : i32 to index
        %swap3A_301 = arith.constant 16 : index
        %swap3A_302 = tpu.vector_load %arg10[%swap3A_300, %swap3A_301] {strides = array<i32>} : memref<200x64xf32, #tpu.memory_space<vmem>>, vector<1x16xf32>,
        %swap3A_303 = vector.shape_cast %swap3A_302 : vector<1x16xf32> to vector<16xf32>
        %swap3A_304 = vector.shape_cast %mul3A_297 : vector<16xf32> to vector<1x16xf32>
        tpu.vector_store %arg10[%swap3A_300, %swap3A_301], %swap3A_304 {strides = array<i32>} : memref<200x64xf32, #tpu.memory_space<vmem>>, vector<1x16xf32>,
        %add3A_305 = arith.constant 3 : i32
        %add3A_306 = arith.addi %mul3A_82, %add3A_305 : i32
        %get3A_307 = arith.index_cast %add3A_306 : i32 to index
        %get3A_308 = arith.constant 32 : index
        %get3A_309 = tpu.vector_load %arg8[%get3A_307, %get3A_308] {strides = array<i32>} : memref<200x128xf32, #tpu.memory_space<vmem>>, vector<1x16xf32>,
        %get3A_310 = vector.shape_cast %get3A_309 : vector<1x16xf32> to vector<16xf32>
        %mul3A_311 = arith.constant 8.000000e+00 : f32
        %mul3A_312 = vector.broadcast %mul3A_311 : f32 to vector<16xf32>
        %mul3A_313 = arith.mulf %get3A_310, %mul3A_312 : vector<16xf32>
        %add3A_314 = arith.constant 3 : i32
        %add3A_315 = arith.addi %mul3A_82, %add3A_314 : i32
        %swap3A_316 = arith.index_cast %add3A_315 : i32 to index
        %swap3A_317 = arith.constant 32 : index
        %swap3A_318 = tpu.vector_load %arg10[%swap3A_316, %swap3A_317] {strides = array<i32>} : memref<200x64xf32, #tpu.memory_space<vmem>>, vector<1x16xf32>,
        %swap3A_319 = vector.shape_cast %swap3A_318 : vector<1x16xf32> to vector<16xf32>
        %swap3A_320 = vector.shape_cast %mul3A_313 : vector<16xf32> to vector<1x16xf32>
        tpu.vector_store %arg10[%swap3A_316, %swap3A_317], %swap3A_320 {strides = array<i32>} : memref<200x64xf32, #tpu.memory_space<vmem>>, vector<1x16xf32>,
        %add3A_321 = arith.constant 3 : i32
        %add3A_322 = arith.addi %mul3A_82, %add3A_321 : i32
        %get3A_323 = arith.index_cast %add3A_322 : i32 to index
        %get3A_324 = arith.constant 48 : index
        %get3A_325 = tpu.vector_load %arg8[%get3A_323, %get3A_324] {strides = array<i32>} : memref<200x128xf32, #tpu.memory_space<vmem>>, vector<1x16xf32>,
        %get3A_326 = vector.shape_cast %get3A_325 : vector<1x16xf32> to vector<16xf32>
        %mul3A_327 = arith.constant 8.000000e+00 : f32
        %mul3A_328 = vector.broadcast %mul3A_327 : f32 to vector<16xf32>
        %mul3A_329 = arith.mulf %get3A_326, %mul3A_328 : vector<16xf32>
        %add3A_330 = arith.constant 3 : i32
        %add3A_331 = arith.addi %mul3A_82, %add3A_330 : i32
        %swap3A_332 = arith.index_cast %add3A_331 : i32 to index
        %swap3A_333 = arith.constant 48 : index
        %swap3A_334 = tpu.vector_load %arg10[%swap3A_332, %swap3A_333] {strides = array<i32>} : memref<200x64xf32, #tpu.memory_space<vmem>>, vector<1x16xf32>,
        %swap3A_335 = vector.shape_cast %swap3A_334 : vector<1x16xf32> to vector<16xf32>
        %swap3A_336 = vector.shape_cast %mul3A_329 : vector<16xf32> to vector<1x16xf32>
        tpu.vector_store %arg10[%swap3A_332, %swap3A_333], %swap3A_336 {strides = array<i32>} : memref<200x64xf32, #tpu.memory_space<vmem>>, vector<1x16xf32>,
      }
      %scan3A_72 = arith.constant 50 : i32
      %mul3A_73 = arith.constant 200 : i32
      %mul3A_74 = arith.muli %add3A_51, %mul3A_73 : i32
      %add3A_75 = arith.addi %mul3A_2, %mul3A_74 : i32
      %dma_start3A_76 = arith.constant 0 : i32
      %dma_start3A_77 = tpu.memref_slice %arg4[%add3A_75, %dma_start3A_76] : memref<819200x64xf32, #tpu.memory_space<hbm>> -> memref<200x64xf32, #tpu.memory_space<hbm>>
      %dma_start3A_78 = arith.constant 0 : i32
      %dma_start3A_79 = tpu.memref_slice %arg4[%add3A_75, %dma_start3A_78] : memref<819200x64xf32, #tpu.memory_space<hbm>> -> memref<200x64xf32, #tpu.memory_space<hbm>>
      tpu.enqueue_dma source(%arg10 : memref<200x64xf32, #tpu.memory_space<vmem>>) target(%dma_start3A_79 : memref<200x64xf32, #tpu.memory_space<hbm>>) target_semaphore(%arg14 : memref<!tpu.dma_semaphore, #tpu.memory_space<semaphore_mem>>)
    }
    %scan3A_11 = arith.constant 64 : i32
    %dma_wait3A = arith.constant 0 : i32
    %dma_wait3A_12 = tpu.memref_slice %arg4[%mul3A_2, %dma_wait3A] : memref<819200x64xf32, #tpu.memory_space<hbm>> -> memref<200x64xf32, #tpu.memory_space<hbm>>
    %dma_wait3A_13 = arith.constant 0 : i32
    %dma_wait3A_14 = tpu.memref_slice %arg4[%mul3A_2, %dma_wait3A_13] : memref<819200x64xf32, #tpu.memory_space<hbm>> -> memref<200x64xf32, #tpu.memory_space<hbm>>
    tpu.wait_dma2 semaphore(%arg13 : memref<!tpu.dma_semaphore, #tpu.memory_space<semaphore_mem>>) src(%arg9 : memref<200x64xf32, #tpu.memory_space<vmem>>) dst(%dma_wait3A_14 : memref<200x64xf32, #tpu.memory_space<hbm>>)
    %dma_wait3A_15 = arith.constant 0 : i32
    %dma_wait3A_16 = tpu.memref_slice %arg4[%mul3A_2, %dma_wait3A_15] : memref<819200x64xf32, #tpu.memory_space<hbm>> -> memref<200x64xf32, #tpu.memory_space<hbm>>
    %dma_wait3A_17 = arith.constant 0 : i32
    %dma_wait3A_18 = tpu.memref_slice %arg4[%mul3A_2, %dma_wait3A_17] : memref<819200x64xf32, #tpu.memory_space<hbm>> -> memref<200x64xf32, #tpu.memory_space<hbm>>
    tpu.wait_dma2 semaphore(%arg14 : memref<!tpu.dma_semaphore, #tpu.memory_space<semaphore_mem>>) src(%arg10 : memref<200x64xf32, #tpu.memory_space<vmem>>) dst(%dma_wait3A_18 : memref<200x64xf32, #tpu.memory_space<hbm>>)
    return
  }
}

</mosaic_0001>

<sc_bundles>
// kernel: kernel.3.cloned.1.call-start
scs
__scs_entry_jumppad:
0x0: {  	(pc) =	sbr.rel $0x88, $3  }
0x1: {  	(tag) =	ssettag $0x0;
	lr =	simm.s32 $0x1  }
0x2: {  	[smem:$0x3F9F] =	sst lr;
	_ =	strace $0xD0000000  }
0x3: {  	_ = 	snop  }
0x4: {  	_ = 	snop  }
0x5: {  	_ = 	snop  }
0x6: {  	_ = 	snop  }
0x7: {  	_ = 	snop  }
__scs_overlays_trampoline_lowered:
0x8: {  	[smem:$0x3FAE] =	sst s0  }
0x9: {  	[smem:$0x3FAF] =	sst s1  }
0xa: {  	[smem:$0x3FB0] =	sst s2  }
0xb: {  	[smem:$0x3FB1] =	sst s3  }
0xc: {  	[smem:$0x3FB2] =	sst s4  }
0xd: {  	[smem:$0x3FB3] =	sst s5  }
0xe: {  	[smem:$0x3FB4] =	sst s6  }
0xf: {  	[smem:$0x3FB5] =	sst s7  }
0x10: {  	[smem:$0x3FB6] =	sst s8  }
0x11: {  	[smem:$0x3FB7] =	sst s9;
	s0 =	simm.s32 @!p0 $0x0  }
0x12: {  	s1 =	sld [smem:$0x3F9D];
	s0 =	simm.s32 @p0 $0x1  }
0x13: {  	[smem:$0x3FB8] =	sst s0;
	s0 =	simm.s32 @!p1 $0x0  }
0x14: {  	s2 =	sld [smem:$0x3F9C];
	s0 =	simm.s32 @p1 $0x1  }
0x15: {  	[smem:$0x3FB9] =	sst s0;
	s0 =	simm.s32 @!p2 $0x0  }
0x16: {  	s3 =	sld [smem:$0x3FDB];
	s0 =	simm.s32 @p2 $0x1  }
0x17: {  	s4 =	simm.s32 $0x1BF5;
	[smem:$0x3FBB] =	sst s0  }
0x18: {  	s0 =	sld [smem:$0x3F9E];
	_ =	swait.ge [sflag:s4], $0x0  }
0x19: {  	s7 =	sld [smem:$0x3F9F]  }
0x1a: {  	s8 =	sadd.s32 $0xFFFFE003, lr  }
0x1b: {  	s9 =	sadd.s32 $0xFFFFFEF7, lr;
	s5 =	simm.s32 $0xFFFFFFFF;
	p2 =	slt.u32 s8, $0xFFFFF086  }
0x1c: {  	p1 =	slt.u32 s9, $0xF7A;
	s5 =	simm.s32 @!p2 $0x0  }
0x1d: {  	s5 =	simm.s32 @p1 $0x1;
	p0 =	seq.s32 s7, s2  }
0x1e: {  	s7 =	smul.u32 @!p0 $0xF7A, s2;
	p2 =	seq.s32 @!p0 s5, $0x0  }
0x1f: {  	s9 =	smul.u32 $0xF7A, s1;
	s8 =	simm.s32 @!p0 $0x1BF5;
	p2 =	por !p2, p0  }
0x20: {  	[sflag:s8] =	ssyncset.s32 @!p0 $0xFFFFF086;
	s6 =	sadd.s32 @!p0 s3, s7;
	s7 =	simm.s32 @!p0 $0x108  }
0x21: {  	s3 =	sadd.s32 s3, s9;
	s6 =	sadd.s32 @!p0 $0x88, s6;
	s7 =	simm.s32 @p2 $0x1082  }
0x22: {  	[simem:s7], [sflag:s8] =	dma.local @!p0 [hbm:s6], $0xF7A  }
0x23: {  	s9 =	sor.u32 $0xD0000000, s2;
	s6 =	simm.s32 $0x108;
	_ =	swait.ge @!p0 [sflag:s8], $0x0  }
0x24: {  	s3 =	sadd.s32 $0x88, s3;
	s6 =	simm.s32 @!p1 $0x1082;
	[sflag:s4] =	ssyncset.s32 $0xFFFFF086  }
0x25: {  	[simem:s6], [sflag:s4] =	dma.local [hbm:s3], $0xF7A  }
0x26: {  	[smem:$0x3F9F] =	sst s1;
	(tag) =	ssettag s2;
	_ =	strace s9  }
0x27: {  	s1 =	sld [smem:$0x3FAF]  }
0x28: {  	s2 =	sld [smem:$0x3FB0]  }
0x29: {  	s4 =	sld [smem:$0x3FB2]  }
0x2a: {  	p0 =	seq.s32 s5, $0x0;
	s5 =	sld [smem:$0x3FB3]  }
0x2b: {  	s6 =	sld [smem:$0x3FB4]  }
0x2c: {  	s7 =	sld [smem:$0x3FB5]  }
0x2d: {  	s3 =	simm.s32 $0x108;
	s8 =	sld [smem:$0x3FB6]  }
0x2e: {  	s3 =	simm.s32 @!p0 $0x1082;
	s9 =	sld [smem:$0x3FB7]  }
0x2f: {  	lr =	sadd.s32 s0, s3;
	s0 =	sld [smem:$0x3FAE]  }
0x30: {  	s3 =	sld [smem:$0x3FB1]  }
0x31: {  	[smem:$0x3FBA] =	sst s10  }
0x32: {  	s10 =	sld [smem:$0x3FB8];
	_ =	sdelay $0x3  }
0x33: {  	p0 =	seq.s32 s10, $0x1;
	s10 =	sld [smem:$0x3FBA];
	_ =	sdelay $0x3  }
0x34: {  	[smem:$0x3FBA] =	sst s10  }
0x35: {  	s10 =	sld [smem:$0x3FB9];
	_ =	sdelay $0x3  }
0x36: {  	p1 =	seq.s32 s10, $0x1;
	s10 =	sld [smem:$0x3FBA];
	_ =	sdelay $0x3  }
0x37: {  	[smem:$0x3FBA] =	sst s10  }
0x38: {  	s10 =	sld [smem:$0x3FBB]  }
0x39: {  	_ = 	snop;
	(pc) =	sbr.ind lr, $3  }
0x3a: {  	_ = 	snop  }
0x3b: {  	_ = 	snop  }
0x3c: {  	p2 =	seq.s32 s10, $0x1;
	s10 =	sld [smem:$0x3FBA]  }
0x3d: {  	_ =	shalt  }
0x3e: {  	_ =	shalt  }
0x3f: {  	_ =	shalt  }
0x40: {  	_ =	shalt  }
0x41: {  	_ =	shalt  }
0x42: {  	_ =	shalt  }
0x43: {  	_ =	shalt  }
0x44: {  	_ =	shalt  }
0x45: {  	_ =	shalt  }
0x46: {  	_ =	shalt  }
0x47: {  	_ =	shalt  }
0x48: {  	_ =	shalt  }
0x49: {  	_ =	shalt  }
0x4a: {  	_ =	shalt  }
0x4b: {  	_ =	shalt  }
0x4c: {  	_ =	shalt  }
0x4d: {  	_ =	shalt  }
0x4e: {  	_ =	shalt  }
0x4f: {  	_ =	shalt  }
0x50: {  	_ =	shalt  }
0x51: {  	_ =	shalt  }
0x52: {  	_ =	shalt  }
0x53: {  	_ =	shalt  }
0x54: {  	_ =	shalt  }
0x55: {  	_ =	shalt  }
0x56: {  	_ =	shalt  }
0x57: {  	_ =	shalt  }
0x58: {  	_ =	shalt  }
0x59: {  	_ =	shalt  }
0x5a: {  	_ =	shalt  }
0x5b: {  	_ =	shalt  }
0x5c: {  	_ =	shalt  }
0x5d: {  	_ =	shalt  }
0x5e: {  	_ =	shalt  }
0x5f: {  	_ =	shalt  }
0x60: {  	_ =	shalt  }
0x61: {  	_ =	shalt  }
0x62: {  	_ =	shalt  }
0x63: {  	_ =	shalt  }
0x64: {  	_ =	shalt  }
0x65: {  	_ =	shalt  }
0x66: {  	_ =	shalt  }
0x67: {  	_ =	shalt  }
0x68: {  	_ =	shalt  }
0x69: {  	_ =	shalt  }
0x6a: {  	_ =	shalt  }
0x6b: {  	_ =	shalt  }
0x6c: {  	_ =	shalt  }
0x6d: {  	_ =	shalt  }
0x6e: {  	_ =	shalt  }
0x6f: {  	_ =	shalt  }
0x70: {  	_ =	shalt  }
0x71: {  	_ =	shalt  }
0x72: {  	_ =	shalt  }
0x73: {  	_ =	shalt  }
0x74: {  	_ =	shalt  }
0x75: {  	_ =	shalt  }
0x76: {  	_ =	shalt  }
0x77: {  	_ =	shalt  }
0x78: {  	_ =	shalt  }
0x79: {  	_ =	shalt  }
0x7a: {  	_ =	shalt  }
0x7b: {  	_ =	shalt  }
0x7c: {  	_ =	shalt  }
0x7d: {  	_ =	shalt  }
0x7e: {  	_ =	shalt  }
0x7f: {  	_ =	shalt  }
0x80: {  	_ =	shalt  }
0x81: {  	_ =	shalt  }
0x82: {  	_ =	shalt  }
0x83: {  	_ =	shalt  }
0x84: {  	_ =	shalt  }
0x85: {  	_ =	shalt  }
0x86: {  	_ =	shalt  }
0x87: {  	_ =	shalt  }
.Lfunc_end0:
.L_simem_size_0:
called_computation.1_lowered:
.L_overlay_start_0:
0x88: {  	s2 =	sld [smem:$0x3FD9]  }
0x89: {  	s3 =	sld [smem:$0x3FFE];
	_ =	sdelay $0x1  }
0x8a: {  	s1 =	srdreg.scid  }
0x8b: {  	s0 =	sand.u32 $0x1, s1  }
0x8c: {  	s17 =	sshll.u32 s0, $0xA;
	s2 =	sadd.s32 s3, s2  }
0x8d: {  	s2 =	sadd.s32 s2, s17  }
0x8e: {  	[smem:$0x3FC6] =	sst s2  }
0x8f: {  	_ = 	snop  }
0x90: {  	s2 =	sld [smem:$0x3FD0];
	(tm) =	ssettm $0x1  }
0x91: {  	s18 =	sld [smem:$0x3FFB];
	_ =	sdelay $0x3  }
0x92: {  	_ =	strace s18  }
0x93: {  	s3 =	sld [smem:$0x3FFC];
	_ =	sdelay $0x3  }
0x94: {  	_ =	strace s3  }
0x95: {  	s3 =	sld [smem:$0x3FFD];
	_ =	sdelay $0x3  }
0x96: {  	_ =	strace s3  }
0x97: {  	_ =	strace $0x8FFFFFFF  }
0x98: {  	s19 =	sld [smem:$0x3FDB];
	_ =	sdelay $0x1  }
0x99: {  	s4 =	simm.s32 $_scs_section_size  }
0x9a: {  	s5 =	simm.s32 $_size__tile_overlayer_lowered;
	s6 =	simm.s32 $_tile_overlayer_lowered  }
0x9b: {  	s22 =	simm.s32 $0x1BFF;
	s21 =	sshll.u32 s6, $0x1;
	s3 =	sadd.s32 s4, s19  }
0x9c: {  	s7 =	simm.s32 $0x0;
	s20 =	sshll.u32 s5, $0x1;
	s5 =	sadd.s32 s21, s3  }
0x9d: {  	[timem:s7], [sflag:s22] =	dma.local [hbm:s5], s20  }
0x9e: {  	_ =	swait.ge [sflag:s22], s20  }
0x9f: {  	s4 =	ssub.s32 $0x0, s20;
	[sflag:s22] =	ssyncset.done $0x0  }
0xa0: {  	[sflag:s22] =	ssyncadd.s32 s4;
	_ =	sdelay $0x1  }
0xa1: {  	s23 =	simm.s32 $0x1B8B  }
0xa2: {  	_ =	swait.ge [sflag:s23], $0x1  }
0xa3: {  	[sflag:s23] =	ssyncset.done $0x0  }
0xa4: {  	s25 =	simm.s32 $0x1B8E;
	s24 =	sld [smem:$0x3FFE];
	[sflag:s23] =	ssyncadd.s32 $0xFFFFFFFF  }
0xa5: {  	s26 =	simm.s32 $execute0_lowered;
	[smem:$0x3FD2] =	sst s25  }
0xa6: {  	s5 =	sshll.u32 s26, $0x1;
	_ =	strace $0x80000046;
	[dreg:$0x1] =	wrdreg $0xFFFFFFFF  }
0xa7: {  	s28 =	simm.s32 $_size_execute0_lowered;
	s3 =	sadd.s32 s3, s5;
	[dreg:$0x0] =	wrdreg $0x0  }
0xa8: {  	s5 =	sshll.u32 s28, $0x1;
	[dreg:$0x2] =	wrdreg s3  }
0xa9: {  	[dreg:$0x3] =	wrdreg s5  }
0xaa: {  	[dreg:$0x4] =	wrdreg $0xC0  }
0xab: {  	_ =	task [dreg:s7], $0x5FFFF  }
0xac: {  	[dreg:$0x1] =	wrdreg $0xFFFFFFFF  }
0xad: {  	[dreg:$0x0] =	wrdreg $0x60  }
0xae: {  	[dreg:$0x2] =	wrdreg s2  }
0xaf: {  	[dreg:$0x3] =	wrdreg s24  }
0xb0: {  	[dreg:$0x4] =	wrdreg $0x9  }
0xb1: {  	_ =	task.clear_ibuf [dreg:s7], $0x5FFFF;
	_ =	strace $0x90000046  }
0xb2: {  	s29 =	simm.s32 $0x9;
	_ =	strace $0x80000048  }
0xb3: {  	_ =	swait.ge [sflag:s29], $0x1  }
0xb4: {  	[sflag:s29] =	ssyncadd.s32 $0xFFFFFFFF  }
0xb5: {  	_ =	strace $0x90000048  }
0xb6: {  	_ =	sfence  }
0xb7: {  	s30 =	sld [smem:$0x0];
	_ =	sdelay $0x2  }
0xb8: {  	s31 =	sshll.u32 s1, $0xD;
	s1 =	sshrl.u32 s1, $0x2  }
0xb9: {  	s3 =	sand.u32 $0x4000, s31;
	s1 =	sadd.s32 s1, s30  }
0xba: {  	s0 =	sor.u32 s3, s0;
	s1 =	sshll.u32 s1, $0x11  }
0xbb: {  	s0 =	sor.u32 s1, s0  }
0xbc: {  	s0 =	sadd.s32 $0x8F2B, s0  }
0xbd: {  	[sflag:s0] =	ssyncadd.remote.s32 $0x1  }
0xbe: {  	_ =	sfence.sel $0xFFFF  }
0xbf: {  	[dreg:$0x0] =	wrdreg $0xFFFFFFFF;
	(pc) =	sbr.abs _section_cstart, $3  }
0xc0: {  	[dreg:$0x1] =	wrdreg $0xFFFFFFFF  }
0xc1: {  	_ =	task.clear_ibuf [dreg:s7], $0x2FFFF;
	_ =	strace $0x9FFFFFFF  }
0xc2: {  	(tm) =	ssettm $0x7FFFFFFF  }
0xc3: {  	_ =	shalt  }
tec
execute0_lowered:
.L_overlay_start_1:
0x0: {  	(tag) =	ssettag $0x1  }
0x1: {  	s2 =	rddreg [dreg:$0x0];
	s1 =	srdreg.scid  }
0x2: {  	s0 =	stileid.u32;
	s6 =	rddreg [dreg:$0x1]  }
0x3: {  	s3 =	simm.s32 $0x0;
	s11 =	simm.s32 $0x5;
	s12 =	simm.s32 $0xC8  }
0x4: {  	s13 =	simm.s32 $0x200;
	s14 =	simm.s32 $0x100;
	s15 =	simm.s32 $0x6600  }
0x5: {  	s16 =	simm.s32 $0x1;
	s17 =	simm.s32 $0xCA00;
	s18 =	simm.s32 $0x2  }
0x6: {  	s19 =	simm.s32 $0x4;
	s20 =	simm.s32 $0x12E00;
	s21 =	simm.s32 $0x3  }
0x7: {  	s5 =	sand.u32 $0x1, s1;
	s4 =	sshll.u32 s0, $0x1;
	s1 =	rddreg [dreg:$0x2]  }
0x8: {  	s22 =	simm.s32 $0x0;
	[smem:$0x7FF] =	sst s3;
	s4 =	sor.u32 s5, s4  }
0x9: {  	_ =	strace $0x80000047;
	s7 =	ssub.s32 $0x2, s5;
	s4 =	smul.u32 $0x6400, s4  }
0xa: {  	s5 =	sadd.s32 $0xF42E00, s6;
	s6 =	sadd.s32 $0xA00, s6;
	s8 =	sshrl.u32 s7, $0x1  }
0xb: {  	s10 =	ssub.s32 s7, s8;
	s9 =	sshrl.u32 s4, $0x3;
	s8 =	sor.u32 $0xC8, s4  }
0xc: {  	s10 =	smax.u32 s10, $0x1;
	s7 =	sadd.s32 s2, s9;
	s9 =	sor.u32 $0x190, s4  }
.LBB2_1:
0xd: {  	[tilespmem:s3], [sflag:$0x5] =	stream.linear.gather [hbm4b:s7+s3], $0xC8, $0x38;
	[tilespmem:$0x19200] =	vst v63  }
0xe: {  	_ =	swait.ge [sflag:s11], $0xC8  }
0xf: {  	[sflag:s11] =	ssyncset.done $0x0  }
0x10: {  	s23 =	simm.s32 $0x0;
	[sflag:s11] =	ssyncadd.s32 $0xFFFFFF38  }
0x11: {  	[tilespmem:s13], [sflag:$0x1] =	stream.indirect.gather [hbm4b:s5+s12], $0x80, s3, s12, $0xb8;
	[tilespmem:$0x19200] =	vst v63  }
.LBB2_2:
0x12: {  	s25 =	smul.u32 $0x190, s23;
	_ =	sdelay $0x1  }
0x13: {  	s24 =	sadd.s32 s25, s8  }
0x14: {  	s26 =	sshrl.u32 s24, $0x3  }
0x15: {  	s26 =	sadd.s32 s2, s26  }
0x16: {  	[tilespmem:s14], [sflag:$0x5] =	stream.linear.gather [hbm4b:s26+s3], $0xC8, $0x38;
	[tilespmem:$0x19200] =	vst v63  }
0x17: {  	_ =	swait.ge [sflag:s11], $0xC8  }
0x18: {  	[sflag:s11] =	ssyncset.done $0x0  }
0x19: {  	[sflag:s11] =	ssyncadd.s32 $0xFFFFFF38  }
0x1a: {  	[tilespmem:s15], [sflag:$0x2] =	stream.indirect.gather [hbm4b:s5+s12], $0x80, s14, s12, $0xb8;
	[tilespmem:$0x19200] =	vst v63  }
0x1b: {  	_ =	swait.ge [sflag:s16], $0x6400  }
0x1c: {  	p0 =	seq.s32 s23, $0x0;
	[sflag:s16] =	ssyncset.done $0x0  }
0x1d: {  	s26 =	simm.s32 @!p0 $0x3;
	[sflag:s16] =	ssyncadd.s32 $0xFFFF9C00  }
0x1e: {  	_ =	swait.ge @!p0 [sflag:s26], $0x6400  }
0x1f: {  	[sflag:s26] =	ssyncset.done @!p0 $0x0  }
0x20: {  	[sflag:s26] =	ssyncadd.s32 @!p0 $0xFFFF9C00;
	s26 =	simm.s32 $0x0  }
0x21: {  	v0 =	vld [tilespmem:s26+$0x3B0]  }
0x22: {  	v1 =	vld [tilespmem:s26+$0x200]  }
0x23: {  	v2 =	vld [tilespmem:s26+$0x210]  }
0x24: {  	v3 =	vld [tilespmem:s26+$0x220]  }
0x25: {  	v6 =	vld [tilespmem:s26+$0x290]  }
0x26: {  	v4 =	vld [tilespmem:s26+$0x230];
	v0 =	vmul.f32 $8.000000000e+00, v0  }
0x27: {  	v5 =	vld [tilespmem:s26+$0x280];
	v1 =	vmul.f32 $8.000000000e+00, v1  }
0x28: {  	v7 =	vld [tilespmem:s26+$0x2A0];
	[tilespmem:s26+$0xCBB0] =	vst v0;
	v0 =	vmul.f32 $8.000000000e+00, v2  }
0x29: {  	v8 =	vld [tilespmem:s26+$0x2B0];
	[tilespmem:s26+$0xCA00] =	vst v1;
	v1 =	vmul.f32 $8.000000000e+00, v3  }
0x2a: {  	v2 =	vmul.f32 $8.000000000e+00, v6;
	[tilespmem:s26+$0xCA10] =	vst v0  }
0x2b: {  	v9 =	vld [tilespmem:s26+$0x300];
	v0 =	vmul.f32 $8.000000000e+00, v4;
	[tilespmem:s26+$0xCA20] =	vst v1  }
0x2c: {  	v4 =	vld [tilespmem:s26+$0x310];
	v1 =	vmul.f32 $8.000000000e+00, v5;
	[tilespmem:s26+$0xCA90] =	vst v2  }
0x2d: {  	v3 =	vmul.f32 $8.000000000e+00, v7;
	[tilespmem:s26+$0xCA30] =	vst v0;
	v0 =	vld [tilespmem:s26+$0x320]  }
0x2e: {  	v5 =	vmul.f32 $8.000000000e+00, v8;
	[tilespmem:s26+$0xCA80] =	vst v1;
	v1 =	vld [tilespmem:s26+$0x330]  }
0x2f: {  	v2 =	vld [tilespmem:s26+$0x380];
	[tilespmem:s26+$0xCAA0] =	vst v3  }
0x30: {  	v3 =	vld [tilespmem:s26+$0x390];
	[tilespmem:s26+$0xCAB0] =	vst v5;
	v5 =	vmul.f32 $8.000000000e+00, v9  }
0x31: {  	s28 =	simm.s32 $0x200;
	s29 =	simm.s32 $0x1000;
	v6 =	vmul.f32 $8.000000000e+00, v4;
	v4 =	vld [tilespmem:s26+$0x3A0]  }
.LBB2_3:
0x32: {  	p1 =	sne.s32 s29, $0x18800;
	v7 =	vld [tilespmem:s28+$0x3B0];
	[tilespmem:s26+$0xCB00] =	vst v5;
	v0 =	vmul.f32 $8.000000000e+00, v0  }
0x33: {  	v5 =	vld [tilespmem:s28+$0x200];
	[tilespmem:s26+$0xCB10] =	vst v6;
	v1 =	vmul.f32 $8.000000000e+00, v1  }
0x34: {  	v6 =	vld [tilespmem:s28+$0x210];
	[tilespmem:s26+$0xCB20] =	vst v0;
	v0 =	vmul.f32 $8.000000000e+00, v2  }
0x35: {  	v2 =	vld [tilespmem:s28+$0x220];
	[tilespmem:s26+$0xCB30] =	vst v1;
	v1 =	vmul.f32 $8.000000000e+00, v3  }
0x36: {  	v3 =	vld [tilespmem:s28+$0x230];
	[tilespmem:s26+$0xCB80] =	vst v0;
	v0 =	vmul.f32 $8.000000000e+00, v4  }
0x37: {  	v4 =	vld [tilespmem:s28+$0x280];
	v7 =	vmul.f32 $8.000000000e+00, v7;
	[tilespmem:s26+$0xCB90] =	vst v1  }
0x38: {  	v1 =	vmul.f32 $8.000000000e+00, v5;
	v5 =	vld [tilespmem:s28+$0x290];
	[tilespmem:s26+$0xCBA0] =	vst v0;
	s26 =	smov.u32 s28  }
0x39: {  	v0 =	vmul.f32 $8.000000000e+00, v6;
	v6 =	vld [tilespmem:s26+$0x2A0];
	[tilespmem:s26+$0xCBB0] =	vst v7  }
0x3a: {  	[tilespmem:s26+$0xCA00] =	vst v1;
	v1 =	vmul.f32 $8.000000000e+00, v2;
	v2 =	vld [tilespmem:s26+$0x2B0]  }
0x3b: {  	[tilespmem:s26+$0xCA10] =	vst v0;
	v0 =	vmul.f32 $8.000000000e+00, v3;
	v3 =	vld [tilespmem:s26+$0x300]  }
0x3c: {  	[tilespmem:s26+$0xCA20] =	vst v1;
	v1 =	vmul.f32 $8.000000000e+00, v4;
	v4 =	vld [tilespmem:s26+$0x310]  }
.Ltmp0:
0x3d: {  	[tilespmem:s26+$0xCA30] =	vst v0;
	v5 =	vmul.f32 $8.000000000e+00, v5;
	v0 =	vld [tilespmem:s26+$0x320];
	(pc) =	sbr.rel @p1 .LBB2_3-.Ltmp0, $4  }
0x3e: {  	[tilespmem:s26+$0xCA80] =	vst v1;
	v6 =	vmul.f32 $8.000000000e+00, v6;
	v1 =	vld [tilespmem:s26+$0x330]  }
0x3f: {  	[tilespmem:s26+$0xCA90] =	vst v5;
	v7 =	vmul.f32 $8.000000000e+00, v2;
	v2 =	vld [tilespmem:s26+$0x380]  }
0x40: {  	[tilespmem:s26+$0xCAA0] =	vst v6;
	v5 =	vmul.f32 $8.000000000e+00, v3;
	v3 =	vld [tilespmem:s26+$0x390]  }
0x41: {  	s28 =	sshra.s32 s29, $0x2;
	s29 =	sadd.s32 $0x800, s29;
	[tilespmem:s26+$0xCAB0] =	vst v7;
	v6 =	vmul.f32 $8.000000000e+00, v4;
	v4 =	vld [tilespmem:s26+$0x3A0]  }
0x42: {  	v7 =	vld [tilespmem:s28+$0x3B0];
	[tilespmem:s26+$0xCB00] =	vst v5;
	v0 =	vmul.f32 $8.000000000e+00, v0  }
0x43: {  	v5 =	vld [tilespmem:s28+$0x200];
	[tilespmem:s26+$0xCB10] =	vst v6;
	v1 =	vmul.f32 $8.000000000e+00, v1  }
0x44: {  	v6 =	vld [tilespmem:s28+$0x210];
	[tilespmem:s26+$0xCB20] =	vst v0;
	v2 =	vmul.f32 $8.000000000e+00, v2  }
0x45: {  	v0 =	vld [tilespmem:s28+$0x220];
	[tilespmem:s26+$0xCB30] =	vst v1;
	v3 =	vmul.f32 $8.000000000e+00, v3  }
0x46: {  	v1 =	vld [tilespmem:s28+$0x230];
	[tilespmem:s26+$0xCB80] =	vst v2;
	v4 =	vmul.f32 $8.000000000e+00, v4  }
0x47: {  	v2 =	vld [tilespmem:s28+$0x280];
	[tilespmem:s26+$0xCB90] =	vst v3;
	v7 =	vmul.f32 $8.000000000e+00, v7  }
0x48: {  	v3 =	vld [tilespmem:s28+$0x290];
	[tilespmem:s26+$0xCBA0] =	vst v4;
	v50 =	vmul.f32 $8.000000000e+00, v5  }
0x49: {  	v51 =	vld [tilespmem:s28+$0x2A0];
	[tilespmem:s28+$0xCBB0] =	vst v7;
	v6 =	vmul.f32 $8.000000000e+00, v6  }
0x4a: {  	v52 =	vld [tilespmem:s28+$0x2B0];
	[tilespmem:s28+$0xCA00] =	vst v50;
	v0 =	vmul.f32 $8.000000000e+00, v0  }
0x4b: {  	v53 =	vld [tilespmem:s28+$0x300];
	[tilespmem:s28+$0xCA10] =	vst v6;
	v1 =	vmul.f32 $8.000000000e+00, v1  }
0x4c: {  	v54 =	vld [tilespmem:s28+$0x310];
	[tilespmem:s28+$0xCA20] =	vst v0;
	v2 =	vmul.f32 $8.000000000e+00, v2  }
0x4d: {  	v55 =	vld [tilespmem:s28+$0x320];
	[tilespmem:s28+$0xCA30] =	vst v1;
	v3 =	vmul.f32 $8.000000000e+00, v3  }
0x4e: {  	v56 =	vld [tilespmem:s28+$0x330];
	[tilespmem:s28+$0xCA80] =	vst v2;
	v5 =	vmul.f32 $8.000000000e+00, v51  }
0x4f: {  	v57 =	vld [tilespmem:s28+$0x380];
	v4 =	vmul.f32 $8.000000000e+00, v52;
	[tilespmem:s28+$0xCA90] =	vst v3  }
0x50: {  	v58 =	vld [tilespmem:s28+$0x390];
	v6 =	vmul.f32 $8.000000000e+00, v53;
	[tilespmem:s28+$0xCAA0] =	vst v5  }
0x51: {  	v59 =	vld [tilespmem:s28+$0x3A0];
	v0 =	vmul.f32 $8.000000000e+00, v54;
	[tilespmem:s28+$0xCAB0] =	vst v4  }
0x52: {  	v1 =	vmul.f32 $8.000000000e+00, v55;
	[tilespmem:s28+$0xCB00] =	vst v6  }
0x53: {  	v60 =	vmul.f32 $8.000000000e+00, v56;
	[tilespmem:s28+$0xCB10] =	vst v0  }
0x54: {  	p1 =	sne.s32 s23, $0x3F;
	v61 =	vmul.f32 $8.000000000e+00, v57;
	[tilespmem:s28+$0xCB20] =	vst v1  }
.Ltmp1:
0x55: {  	v62 =	vmul.f32 $8.000000000e+00, v58;
	[tilespmem:s28+$0xCB30] =	vst v60;
	(pc) =	sbr.rel @p1 .LBB2_6-.Ltmp1, $4  }
0x56: {  	s31 =	sadd.s32 s4, s25;
	v63 =	vmul.f32 $8.000000000e+00, v59;
	[tilespmem:s28+$0xCB80] =	vst v61  }
0x57: {  	s26 =	sshll.u32 s31, $0x4;
	[tilespmem:s28+$0xCB90] =	vst v62  }
0x58: {  	s26 =	sadd.s32 s6, s26;
	[tilespmem:s28+$0xCBA0] =	vst v63  }
0x59: {  	[hbm4b:s26+s3] =	stream.linear.scatter [tilespmem:s17], [sflag:$0x3], $0x6400, $0x38;
	[tilespmem:$0x19200] =	vst v63  }
.Ltmp2:
0x5a: {  	(pc) =	sbr.rel .LBB2_7-.Ltmp2, $4  }
0x5b: {  	_ = 	snop  }
0x5c: {  	_ =	swait.ge [sflag:s18], $0x6400  }
0x5d: {  	[sflag:s18] =	ssyncset.done $0x0  }
0x5e: {  	[sflag:s18] =	ssyncadd.s32 $0xFFFF9C00  }
.LBB2_6:
0x5f: {  	s25 =	sadd.s32 s25, s9  }
0x60: {  	s25 =	sshrl.u32 s25, $0x3  }
0x61: {  	s25 =	sadd.s32 s2, s25  }
0x62: {  	[tilespmem:s3], [sflag:$0x5] =	stream.linear.gather [hbm4b:s25+s3], $0xC8, $0x38;
	[tilespmem:$0x19200] =	vst v63  }
0x63: {  	_ =	swait.ge [sflag:s11], $0xC8  }
0x64: {  	[sflag:s11] =	ssyncset.done $0x0  }
.Ltmp3:
0x65: {  	[sflag:s11] =	ssyncadd.s32 $0xFFFFFF38;
	(pc) =	sbr.rel @p0 .LBB2_8-.Ltmp3, $4  }
0x66: {  	[tilespmem:s13], [sflag:$0x1] =	stream.indirect.gather [hbm4b:s5+s12], $0x80, s3, s12, $0xb8;
	[tilespmem:$0x19200] =	vst v63  }
0x67: {  	_ =	swait.ge [sflag:s18], $0x6400  }
0x68: {  	[sflag:s18] =	ssyncset.done $0x0  }
0x69: {  	[sflag:s18] =	ssyncadd.s32 $0xFFFF9C00  }
.LBB2_7:
0x6a: {  	_ =	swait.ge [sflag:s19], $0x6400  }
0x6b: {  	[sflag:s19] =	ssyncset.done $0x0  }
0x6c: {  	[sflag:s19] =	ssyncadd.s32 $0xFFFF9C00  }
.LBB2_8:
0x6d: {  	s25 =	simm.s32 $0x0  }
0x6e: {  	v0 =	vld [tilespmem:s25+$0x67B0]  }
0x6f: {  	v1 =	vld [tilespmem:s25+$0x6600]  }
0x70: {  	v2 =	vld [tilespmem:s25+$0x6610]  }
0x71: {  	v3 =	vld [tilespmem:s25+$0x6620]  }
0x72: {  	v6 =	vld [tilespmem:s25+$0x6690]  }
0x73: {  	v4 =	vld [tilespmem:s25+$0x6630];
	v0 =	vmul.f32 $8.000000000e+00, v0  }
0x74: {  	v5 =	vld [tilespmem:s25+$0x6680];
	v1 =	vmul.f32 $8.000000000e+00, v1  }
0x75: {  	v7 =	vld [tilespmem:s25+$0x66A0];
	[tilespmem:s25+$0x12FB0] =	vst v0;
	v0 =	vmul.f32 $8.000000000e+00, v2  }
0x76: {  	v8 =	vld [tilespmem:s25+$0x66B0];
	[tilespmem:s25+$0x12E00] =	vst v1;
	v1 =	vmul.f32 $8.000000000e+00, v3  }
0x77: {  	v2 =	vmul.f32 $8.000000000e+00, v6;
	[tilespmem:s25+$0x12E10] =	vst v0  }
0x78: {  	v9 =	vld [tilespmem:s25+$0x6700];
	v0 =	vmul.f32 $8.000000000e+00, v4;
	[tilespmem:s25+$0x12E20] =	vst v1  }
0x79: {  	v4 =	vld [tilespmem:s25+$0x6710];
	v1 =	vmul.f32 $8.000000000e+00, v5;
	[tilespmem:s25+$0x12E90] =	vst v2  }
0x7a: {  	v3 =	vmul.f32 $8.000000000e+00, v7;
	[tilespmem:s25+$0x12E30] =	vst v0;
	v0 =	vld [tilespmem:s25+$0x6720]  }
0x7b: {  	v5 =	vmul.f32 $8.000000000e+00, v8;
	[tilespmem:s25+$0x12E80] =	vst v1;
	v1 =	vld [tilespmem:s25+$0x6730]  }
0x7c: {  	v2 =	vld [tilespmem:s25+$0x6780];
	[tilespmem:s25+$0x12EA0] =	vst v3  }
0x7d: {  	v3 =	vld [tilespmem:s25+$0x6790];
	[tilespmem:s25+$0x12EB0] =	vst v5;
	v5 =	vmul.f32 $8.000000000e+00, v9  }
0x7e: {  	s26 =	simm.s32 $0x200;
	s28 =	simm.s32 $0x1000;
	v6 =	vmul.f32 $8.000000000e+00, v4;
	v4 =	vld [tilespmem:s25+$0x67A0]  }
.LBB2_9:
0x7f: {  	p0 =	sne.s32 s28, $0x18800;
	v7 =	vld [tilespmem:s26+$0x67B0];
	[tilespmem:s25+$0x12F00] =	vst v5;
	v0 =	vmul.f32 $8.000000000e+00, v0  }
0x80: {  	v5 =	vld [tilespmem:s26+$0x6600];
	[tilespmem:s25+$0x12F10] =	vst v6;
	v1 =	vmul.f32 $8.000000000e+00, v1  }
0x81: {  	v6 =	vld [tilespmem:s26+$0x6610];
	[tilespmem:s25+$0x12F20] =	vst v0;
	v0 =	vmul.f32 $8.000000000e+00, v2  }
0x82: {  	v2 =	vld [tilespmem:s26+$0x6620];
	[tilespmem:s25+$0x12F30] =	vst v1;
	v1 =	vmul.f32 $8.000000000e+00, v3  }
0x83: {  	v3 =	vld [tilespmem:s26+$0x6630];
	[tilespmem:s25+$0x12F80] =	vst v0;
	v0 =	vmul.f32 $8.000000000e+00, v4  }
0x84: {  	v4 =	vld [tilespmem:s26+$0x6680];
	v7 =	vmul.f32 $8.000000000e+00, v7;
	[tilespmem:s25+$0x12F90] =	vst v1  }
0x85: {  	v1 =	vmul.f32 $8.000000000e+00, v5;
	v5 =	vld [tilespmem:s26+$0x6690];
	[tilespmem:s25+$0x12FA0] =	vst v0;
	s25 =	smov.u32 s26  }
0x86: {  	v0 =	vmul.f32 $8.000000000e+00, v6;
	v6 =	vld [tilespmem:s25+$0x66A0];
	[tilespmem:s25+$0x12FB0] =	vst v7  }
0x87: {  	[tilespmem:s25+$0x12E00] =	vst v1;
	v1 =	vmul.f32 $8.000000000e+00, v2;
	v2 =	vld [tilespmem:s25+$0x66B0]  }
0x88: {  	[tilespmem:s25+$0x12E10] =	vst v0;
	v0 =	vmul.f32 $8.000000000e+00, v3;
	v3 =	vld [tilespmem:s25+$0x6700]  }
0x89: {  	[tilespmem:s25+$0x12E20] =	vst v1;
	v1 =	vmul.f32 $8.000000000e+00, v4;
	v4 =	vld [tilespmem:s25+$0x6710]  }
.Ltmp4:
0x8a: {  	[tilespmem:s25+$0x12E30] =	vst v0;
	v5 =	vmul.f32 $8.000000000e+00, v5;
	v0 =	vld [tilespmem:s25+$0x6720];
	(pc) =	sbr.rel @p0 .LBB2_9-.Ltmp4, $4  }
0x8b: {  	[tilespmem:s25+$0x12E80] =	vst v1;
	v6 =	vmul.f32 $8.000000000e+00, v6;
	v1 =	vld [tilespmem:s25+$0x6730]  }
0x8c: {  	[tilespmem:s25+$0x12E90] =	vst v5;
	v7 =	vmul.f32 $8.000000000e+00, v2;
	v2 =	vld [tilespmem:s25+$0x6780]  }
0x8d: {  	[tilespmem:s25+$0x12EA0] =	vst v6;
	v5 =	vmul.f32 $8.000000000e+00, v3;
	v3 =	vld [tilespmem:s25+$0x6790]  }
0x8e: {  	s26 =	sshra.s32 s28, $0x2;
	s28 =	sadd.s32 $0x800, s28;
	[tilespmem:s25+$0x12EB0] =	vst v7;
	v6 =	vmul.f32 $8.000000000e+00, v4;
	v4 =	vld [tilespmem:s25+$0x67A0]  }
0x8f: {  	v7 =	vld [tilespmem:s26+$0x67B0];
	[tilespmem:s25+$0x12F00] =	vst v5;
	v0 =	vmul.f32 $8.000000000e+00, v0  }
0x90: {  	v5 =	vld [tilespmem:s26+$0x6600];
	[tilespmem:s25+$0x12F10] =	vst v6;
	v1 =	vmul.f32 $8.000000000e+00, v1  }
0x91: {  	v6 =	vld [tilespmem:s26+$0x6610];
	[tilespmem:s25+$0x12F20] =	vst v0;
	v2 =	vmul.f32 $8.000000000e+00, v2  }
0x92: {  	v0 =	vld [tilespmem:s26+$0x6620];
	[tilespmem:s25+$0x12F30] =	vst v1;
	v3 =	vmul.f32 $8.000000000e+00, v3  }
0x93: {  	v1 =	vld [tilespmem:s26+$0x6630];
	[tilespmem:s25+$0x12F80] =	vst v2;
	v4 =	vmul.f32 $8.000000000e+00, v4  }
0x94: {  	v2 =	vld [tilespmem:s26+$0x6680];
	[tilespmem:s25+$0x12F90] =	vst v3;
	v7 =	vmul.f32 $8.000000000e+00, v7  }
0x95: {  	v3 =	vld [tilespmem:s26+$0x6690];
	[tilespmem:s25+$0x12FA0] =	vst v4;
	v50 =	vmul.f32 $8.000000000e+00, v5  }
0x96: {  	v51 =	vld [tilespmem:s26+$0x66A0];
	[tilespmem:s26+$0x12FB0] =	vst v7;
	v6 =	vmul.f32 $8.000000000e+00, v6  }
0x97: {  	v52 =	vld [tilespmem:s26+$0x66B0];
	[tilespmem:s26+$0x12E00] =	vst v50;
	v0 =	vmul.f32 $8.000000000e+00, v0  }
0x98: {  	v53 =	vld [tilespmem:s26+$0x6700];
	[tilespmem:s26+$0x12E10] =	vst v6;
	v1 =	vmul.f32 $8.000000000e+00, v1  }
0x99: {  	v54 =	vld [tilespmem:s26+$0x6710];
	[tilespmem:s26+$0x12E20] =	vst v0;
	v2 =	vmul.f32 $8.000000000e+00, v2  }
0x9a: {  	v55 =	vld [tilespmem:s26+$0x6720];
	[tilespmem:s26+$0x12E30] =	vst v1;
	v3 =	vmul.f32 $8.000000000e+00, v3  }
0x9b: {  	v56 =	vld [tilespmem:s26+$0x6730];
	[tilespmem:s26+$0x12E80] =	vst v2;
	v5 =	vmul.f32 $8.000000000e+00, v51  }
0x9c: {  	v57 =	vld [tilespmem:s26+$0x6780];
	v4 =	vmul.f32 $8.000000000e+00, v52;
	[tilespmem:s26+$0x12E90] =	vst v3  }
0x9d: {  	v58 =	vld [tilespmem:s26+$0x6790];
	v6 =	vmul.f32 $8.000000000e+00, v53;
	[tilespmem:s26+$0x12EA0] =	vst v5  }
0x9e: {  	v59 =	vld [tilespmem:s26+$0x67A0];
	v0 =	vmul.f32 $8.000000000e+00, v54;
	[tilespmem:s26+$0x12EB0] =	vst v4  }
0x9f: {  	v1 =	vmul.f32 $8.000000000e+00, v55;
	[tilespmem:s26+$0x12F00] =	vst v6  }
0xa0: {  	s23 =	sadd.s32 $0x1, s23;
	v60 =	vmul.f32 $8.000000000e+00, v56;
	[tilespmem:s26+$0x12F10] =	vst v0  }
0xa1: {  	p0 =	sne.s32 s23, $0x40;
	v61 =	vmul.f32 $8.000000000e+00, v57;
	[tilespmem:s26+$0x12F20] =	vst v1  }
.Ltmp5:
0xa2: {  	v62 =	vmul.f32 $8.000000000e+00, v58;
	[tilespmem:s26+$0x12F30] =	vst v60;
	(pc) =	sbr.rel @p0 .LBB2_2-.Ltmp5, $4  }
0xa3: {  	v63 =	vmul.f32 $8.000000000e+00, v59;
	[tilespmem:s26+$0x12F80] =	vst v61  }
0xa4: {  	s24 =	sshll.u32 s24, $0x4;
	[tilespmem:s26+$0x12F90] =	vst v62  }
0xa5: {  	s24 =	sadd.s32 s6, s24;
	[tilespmem:s26+$0x12FA0] =	vst v63  }
0xa6: {  	[hbm4b:s24+s3] =	stream.linear.scatter [tilespmem:s20], [sflag:$0x4], $0x6400, $0x38;
	[tilespmem:$0x19200] =	vst v63  }
0xa7: {  	s22 =	sadd.s32 $0x1, s22  }
0xa8: {  	_ =	swait.ge [sflag:s21], $0x6400;
	p0 =	sne.s32 s22, s10  }
.Ltmp6:
0xa9: {  	[sflag:s21] =	ssyncset.done $0x0;
	(pc) =	sbr.rel @p0 .LBB2_1-.Ltmp6, $4  }
0xaa: {  	[sflag:s21] =	ssyncadd.s32 $0xFFFF9C00  }
0xab: {  	_ =	swait.ge [sflag:s19], $0x6400  }
0xac: {  	[sflag:s19] =	ssyncset.done $0x0  }
0xad: {  	[sflag:s19] =	ssyncadd.s32 $0xFFFF9C00  }
0xae: {  	_ =	sfence.sel $0x180000  }
0xaf: {  	[bflag:$0x0] =	sbarrier.arrive $0xFFFF  }
0xb0: {  	p0 =	sne.s32 s0, $0x0;
	_ =	strace $0x90000047  }
0xb1: {  	s0 =	sadd.s32 @!p0 $0x100000, s1;
	[bflag:$0x2] =	sbarrier.arrive $0xFFFF  }
0xb2: {  	[sflag:s0] =	ssyncadd.tile.s32 @!p0 $0x1;
	_ =	shalt  }
.Lfunc_end2:
_tile_overlayer_lowered:
.L_overlay_start_2:
0xb3: {  	(tag) =	ssettag $0x2  }
0xb4: {  	s0 =	rddreg [dreg:$0x0];
	s2 =	stileid.u32  }
0xb5: {  	s1 =	rddreg [dreg:$0x1];
	p0 =	sne.s32 s2, $0x0  }
0xb6: {  	s3 =	rddreg [dreg:$0x2];
	[bflag:$0x3] =	sbarrier.arrive $0xFFFF;
	s2 =	simm.s32 @!p0 $0x1C05  }
0xb7: {  	[timem:s3], [sflag:s2] =	dma.local @!p0 [hbm:s0], s1  }
0xb8: {  	s0 =	simm.s32 @!p0 $0x5  }
0xb9: {  	_ =	swait.ge @!p0 [sflag:s0], s1  }
0xba: {  	s1 =	ssub.s32 @!p0 $0x0, s1;
	[sflag:s0] =	ssyncset.done @!p0 $0x0  }
0xbb: {  	[sflag:s0] =	ssyncadd.s32 @!p0 s1  }
0xbc: {  	[bflag:$0x3] =	sbarrier.arrive $0xFFFF  }
0xbd: {  	_ =	shalt  }

// kernel: sparse-core-data-format-call.cloned.1.call-start
scs
called_computation_lowered:
.L_overlay_start_0:
0x0: {  	s2 =	sld [smem:$0x3FD9]  }
0x1: {  	s3 =	sld [smem:$0x3FFE];
	_ =	sdelay $0x1  }
0x2: {  	s1 =	srdreg.scid  }
0x3: {  	s0 =	sand.u32 $0x1, s1  }
0x4: {  	s18 =	sshll.u32 s0, $0xA;
	s2 =	sadd.s32 s3, s2  }
0x5: {  	s2 =	sadd.s32 s2, s18  }
0x6: {  	[smem:$0x3FC6] =	sst s2  }
0x7: {  	_ = 	snop  }
0x8: {  	s2 =	sld [smem:$0x3FD0];
	(tm) =	ssettm $0x1  }
0x9: {  	s19 =	sld [smem:$0x3FFB];
	_ =	sdelay $0x3  }
0xa: {  	_ =	strace s19  }
0xb: {  	s3 =	sld [smem:$0x3FFC];
	_ =	sdelay $0x3  }
0xc: {  	_ =	strace s3  }
0xd: {  	s3 =	sld [smem:$0x3FFD];
	_ =	sdelay $0x3  }
0xe: {  	_ =	strace s3  }
0xf: {  	_ =	strace $0x8FFFFFFF  }
0x10: {  	s20 =	sld [smem:$0x3FDB];
	_ =	sdelay $0x1  }
0x11: {  	s4 =	simm.s32 $_scs_section_size  }
0x12: {  	s5 =	simm.s32 $_size__tile_overlayer_lowered;
	s6 =	simm.s32 $_tile_overlayer_lowered  }
0x13: {  	s23 =	simm.s32 $0x1BFF;
	s22 =	sshll.u32 s6, $0x1;
	s3 =	sadd.s32 s4, s20  }
0x14: {  	s7 =	simm.s32 $0x0;
	s21 =	sshll.u32 s5, $0x1;
	s5 =	sadd.s32 s22, s3  }
0x15: {  	[timem:s7], [sflag:s23] =	dma.local [hbm:s5], s21  }
0x16: {  	_ =	swait.ge [sflag:s23], s21  }
0x17: {  	s4 =	ssub.s32 $0x0, s21;
	[sflag:s23] =	ssyncset.done $0x0  }
0x18: {  	[sflag:s23] =	ssyncadd.s32 s4;
	_ =	sdelay $0x1  }
0x19: {  	s24 =	simm.s32 $0x1B8B  }
0x1a: {  	_ =	swait.ge [sflag:s24], $0x1  }
0x1b: {  	[sflag:s24] =	ssyncset.done $0x0  }
0x1c: {  	s26 =	simm.s32 $0x1B8E;
	s25 =	sld [smem:$0x3FFE];
	[sflag:s24] =	ssyncadd.s32 $0xFFFFFFFF  }
0x1d: {  	s27 =	simm.s32 $execute0_lowered;
	[smem:$0x3FD2] =	sst s26  }
0x1e: {  	s5 =	sshll.u32 s27, $0x1;
	_ =	strace $0x80000049;
	[dreg:$0x1] =	wrdreg $0xFFFFFFFF  }
0x1f: {  	s28 =	simm.s32 $_size_execute0_lowered;
	s3 =	sadd.s32 s3, s5;
	[dreg:$0x0] =	wrdreg $0x0  }
0x20: {  	s5 =	sshll.u32 s28, $0x1;
	[dreg:$0x2] =	wrdreg s3  }
0x21: {  	[dreg:$0x3] =	wrdreg s5  }
0x22: {  	[dreg:$0x4] =	wrdreg $0xC0  }
0x23: {  	_ =	task [dreg:s7], $0x5FFFF  }
0x24: {  	[dreg:$0x1] =	wrdreg $0xFFFFFFFF  }
0x25: {  	[dreg:$0x0] =	wrdreg $0x60  }
0x26: {  	[dreg:$0x2] =	wrdreg s25  }
0x27: {  	[dreg:$0x3] =	wrdreg s2  }
0x28: {  	[dreg:$0x4] =	wrdreg $0x9  }
0x29: {  	_ =	task.clear_ibuf [dreg:s7], $0x5FFFF;
	_ =	strace $0x90000049  }
0x2a: {  	s29 =	simm.s32 $0x9;
	_ =	strace $0x8000004B  }
0x2b: {  	_ =	swait.ge [sflag:s29], $0x1  }
0x2c: {  	[sflag:s29] =	ssyncadd.s32 $0xFFFFFFFF  }
0x2d: {  	_ =	strace $0x9000004B  }
0x2e: {  	_ =	sfence  }
0x2f: {  	s30 =	sld [smem:$0x0];
	_ =	sdelay $0x2  }
0x30: {  	s31 =	sshll.u32 s1, $0xD;
	s1 =	sshrl.u32 s1, $0x2  }
0x31: {  	s3 =	sand.u32 $0x4000, s31;
	s1 =	sadd.s32 s1, s30  }
0x32: {  	s0 =	sor.u32 s3, s0;
	s1 =	sshll.u32 s1, $0x11  }
0x33: {  	s0 =	sor.u32 s1, s0  }
0x34: {  	s0 =	sadd.s32 $0x8F2B, s0  }
0x35: {  	[sflag:s0] =	ssyncadd.remote.s32 $0x1  }
0x36: {  	_ =	sfence.sel $0xFFFF  }
0x37: {  	[dreg:$0x0] =	wrdreg $0xFFFFFFFF;
	(pc) =	sbr.abs _section_cstart, $3  }
0x38: {  	[dreg:$0x1] =	wrdreg $0xFFFFFFFF  }
0x39: {  	_ =	task.clear_ibuf [dreg:s7], $0x2FFFF;
	_ =	strace $0x9FFFFFFF  }
0x3a: {  	(tm) =	ssettm $0x7FFFFFFF  }
0x3b: {  	_ =	shalt  }
tec
execute0_lowered:
.L_overlay_start_1:
0x0: {  	(tag) =	ssettag $0x1  }
0x1: {  	s0 =	srdreg.scid  }
0x2: {  	s1 =	sshll.u32 s0, $0x4  }
0x3: {  	s0 =	stileid.u32;
	s1 =	sand.u32 $0x10, s1  }
0x4: {  	s1 =	sor.u32 s0, s1  }
0x5: {  	s6 =	rddreg [dreg:$0x0];
	s4 =	simm.s32 $0x1;
	s2 =	sshll.u32 s1, $0x7  }
0x6: {  	s7 =	simm.s32 $0x2;
	s12 =	simm.s32 $0x0;
	s1 =	ssub.s32 $0x1000, s2  }
0x7: {  	s8 =	simm.s32 $0x8000;
	s13 =	simm.s32 $0x0;
	s3 =	sand.u32 $0xF80, s1  }
0x8: {  	s9 =	simm.s32 $0x0;
	s5 =	sshrl.u32 s1, $0xC;
	p0 =	sne.s32 s3, $0x0  }
.Ltmp0:
0x9: {  	s1 =	rddreg [dreg:$0x2];
	s4 =	simm.s32 @!p0 $0x0;
	(pc) =	sbr.rel .LBB1_1-.Ltmp0, $4  }
0xa: {  	s11 =	simm.s32 $0x0;
	s3 =	rddreg [dreg:$0x1];
	s5 =	sadd.s32 s4, s5  }
0xb: {  	_ =	strace $0x8000004A;
	s4 =	simm.s32 $0x1;
	s5 =	smul.u32 $0xC8, s5  }
0xc: {  	s6 =	sadd.s32 $0xA00, s6;
	s10 =	smov.u32 s2;
	[sflag:s4] =	ssyncpa.u1 $0x0  }
0xd: {  	p0 =	por $0x0, $0x0;
	[sflag:s7] =	ssyncpa.u1 $0x0;
	s7 =	sor.u32 $0x1, s5  }
.LBB1_4:
0xe: {  	s16 =	sshll.u32 s13, $0x3;
	s17 =	sand.u32 $0x78, s13  }
0xf: {  	s30 =	sand.u32 $0x7E00, s13;
	s12 =	sshll.u32 s12, $0xF;
	s16 =	sand.u32 $0xC00, s16  }
0x10: {  	[tilespmem:s15+$0x810 ss:$0x81] =	vst.msk $0xffff, v2;
	s31 =	sand.u32 $0x7, s13;
	s16 =	sor.u32 s17, s16;
	s17 =	sadd.s32 s3, s30  }
0x11: {  	[tilespmem:s15+$0x1020 ss:$0x81] =	vst.msk $0xffff, v0;
	s13 =	sshll.u32 s31, $0x12;
	s12 =	sadd.s32 s12, s17;
	s16 =	sshrl.u32 s16, $0x3  }
0x12: {  	[tilespmem:s15+$0x0 ss:$0x81] =	vst.msk $0xffff, v1;
	s13 =	sor.u32 $0x400, s13;
	s12 =	sadd.s32 s16, s12  }
0x13: {  	[hbm4b:s12+s13] =	stream.strided.scatter [tilespmem:s14], [sflag:$0x2], $0x2000, s8, s13, $0x20;
	[tilespmem:$0x8080] =	vst v63  }
.LBB1_5:
0x14: {  	s14 =	sadd.s32 $0x1, s9  }
0x15: {  	s12 =	sadd.s32 $0x1000, s10;
	s16 =	smov.u32 s10;
	p2 =	sgt.s32 s14, $0xC7  }
0x16: {  	s16 =	smov.u32 @p2 s12  }
0x17: {  	s14 =	simm.s32 @p2 $0x0;
	p2 =	sgt.s32 s16, $0xFFF  }
0x18: {  	s16 =	smov.u32 @p2 s2;
	p2 =	sne.s32 s11, s7  }
.Ltmp1:
0x19: {  	p1 =	slt.u32 s11, $0x2;
	(pc) =	sbr.rel @!p2 .LBB1_6-.Ltmp1, $4  }
0x1a: {  	s15 =	simm.s32 @!p1 $0x2  }
0x1b: {  	s13 =	smov.u32 s10;
	p0 =	por !p0, !p0;
	_ =	swait.ge @!p1 [sflag:s15], $0x2000  }
0x1c: {  	s12 =	smov.u32 s9;
	[sflag:s15] =	ssyncset.done @!p1 $0x0;
	s9 =	smov.u32 s14  }
0x1d: {  	s11 =	sadd.s32 $0x1, s11;
	[sflag:s15] =	ssyncadd.s32 @!p1 $0xFFFFE000;
	s10 =	smov.u32 s16  }
.LBB1_1:
0x1e: {  	p1 =	sge.u32 s11, s5  }
0x1f: {  	s14 =	sand.u32 @!p1 $0x1FFFFFF, s9  }
0x20: {  	s15 =	smulhi.u32 @!p1 $0x147AE15, s14;
	_ =	sdelay $0x1  }
0x21: {  	s15 =	smul.u32 @!p1 $0xC8, s15  }
0x22: {  	s16 =	sxor.u32 @!p1 $0xFFFFFFFF, s11;
	s17 =	smul.u32 @!p1 $0xC80, s10  }
0x23: {  	s31 =	sadd.s32 $0xFFFFFFFF, s11;
	s16 =	sshll.u32 @!p1 s16, $0xD;
	s14 =	ssub.s32 @!p1 s14, s15  }
0x24: {  	s15 =	sand.u32 @!p1 $0x2000, s16;
	s16 =	sadd.s32 @!p1 s6, s17;
	s14 =	sshll.u32 @!p1 s14, $0x4  }
0x25: {  	s17 =	simm.s32 @!p1 $0x6400;
	s14 =	sadd.s32 @!p1 s14, s16;
	s16 =	simm.s32 @!p1 $0x40  }
0x26: {  	[tilespmem:s15], [sflag:$0x1] =	stream.strided.gather @!p1 [hbm4b:s14+s16], $0x2000, s17, s16, $0x38;
	[tilespmem:$0x8080] =	vst v63  }
0x27: {  	p1 =	sge.u32 s31, s5  }
.Ltmp2:
0x28: {  	_ = 	snop;
	(pc) =	sbr.rel @p1 .LBB1_5-.Ltmp2, $1  }
0x29: {  	_ =	sdelay $0x3  }
0x2a: {  	s14 =	simm.s32 $0x1  }
0x2b: {  	_ =	swait.ge [sflag:s4], $0x2000;
	s14 =	simm.s32 @!p0 $0x0  }
0x2c: {  	[sflag:s4] =	ssyncset.done $0x0;
	s15 =	sshll.u32 s14, $0xD  }
0x2d: {  	[sflag:s4] =	ssyncadd.s32 $0xFFFFE000;
	s18 =	sor.u32 $0x20, s15  }
0x2e: {  	s14 =	smul.u32 $0x8100, s14;
	v3 =	vld [tilespmem:s18+$0x10]  }
0x2f: {  	s30 =	sand.u32 $0x1, s11;
	v2 =	vld [tilespmem:s18+$0xFFFFFFF0]  }
0x30: {  	s15 =	smul.u32 $0x8100, s30;
	s14 =	sshrl.u32 s14, $0x2;
	v0 =	vld [tilespmem:s18+$0x0]  }
0x31: {  	v1 =	vld [tilespmem:s18+$0xFFFFFFE0];
	s16 =	sor.u32 $0x4000, s14  }
0x32: {  	s31 =	sshrl.u32 s15, $0x2;
	s15 =	sadd.s32 $0x0, s16  }
0x33: {  	s17 =	simm.s32 $0x4;
	s18 =	sadd.s32 $0x40, s18;
	s14 =	sor.u32 $0x4000, s31;
	[tilespmem:s15+$0x1830 ss:$0x81] =	vst.msk $0xffff, v3  }
.LBB1_3:
0x34: {  	v3 =	vld [tilespmem:s18+$0x10];
	p1 =	sne.s32 s17, $0x1FC;
	[tilespmem:s15+$0x810 ss:$0x81] =	vst.msk $0xffff, v2;
	s19 =	smov.u32 s17;
	s17 =	sadd.s32 $0x4, s17  }
.Ltmp3:
0x35: {  	v2 =	vld [tilespmem:s18+$0xFFFFFFF0];
	[tilespmem:s15+$0x1020 ss:$0x81] =	vst.msk $0xffff, v0;
	(pc) =	sbr.rel @p1 .LBB1_3-.Ltmp3, $4  }
0x36: {  	v0 =	vld [tilespmem:s18+$0x0];
	[tilespmem:s15+$0x0 ss:$0x81] =	vst.msk $0xffff, v1  }
0x37: {  	s15 =	sshra.s32 s19, $0x2;
	v1 =	vld [tilespmem:s18+$0xFFFFFFE0]  }
0x38: {  	s15 =	sadd.s32 s15, s16  }
0x39: {  	s18 =	sadd.s32 $0x40, s18;
	[tilespmem:s15+$0x1830 ss:$0x81] =	vst.msk $0xffff, v3  }
.Ltmp4:
0x3a: {  	_ = 	snop;
	(pc) =	sbr.rel .LBB1_4-.Ltmp4, $1  }
0x3b: {  	_ =	sdelay $0x3  }
.LBB1_6:
0x3c: {  	_ =	sfence.sel $0x180000  }
0x3d: {  	s2 =	simm.s32 $0x1;
	[bflag:$0x0] =	sbarrier.arrive $0xFFFF  }
0x3e: {  	s31 =	simm.s32 $0x2;
	[sflag:s2] =	ssyncpa.u1 $0x1  }
0x3f: {  	[sflag:s31] =	ssyncpa.u1 $0x1  }
0x40: {  	p0 =	sne.s32 s0, $0x0;
	_ =	strace $0x9000004A  }
0x41: {  	s0 =	sadd.s32 @!p0 $0x100000, s1;
	[bflag:$0x2] =	sbarrier.arrive $0xFFFF  }
0x42: {  	[sflag:s0] =	ssyncadd.tile.s32 @!p0 $0x1;
	_ =	shalt  }
.Lfunc_end1:
_tile_overlayer_lowered:
.L_overlay_start_2:
0x43: {  	(tag) =	ssettag $0x2  }
0x44: {  	s0 =	rddreg [dreg:$0x0];
	s2 =	stileid.u32  }
0x45: {  	s1 =	rddreg [dreg:$0x1];
	p0 =	sne.s32 s2, $0x0  }
0x46: {  	s3 =	rddreg [dreg:$0x2];
	[bflag:$0x3] =	sbarrier.arrive $0xFFFF;
	s2 =	simm.s32 @!p0 $0x1C01  }
0x47: {  	[timem:s3], [sflag:s2] =	dma.local @!p0 [hbm:s0], s1  }
0x48: {  	s0 =	simm.s32 @!p0 $0x1  }
0x49: {  	_ =	swait.ge @!p0 [sflag:s0], s1  }
0x4a: {  	s1 =	ssub.s32 @!p0 $0x0, s1;
	[sflag:s0] =	ssyncset.done @!p0 $0x0  }
0x4b: {  	[sflag:s0] =	ssyncadd.s32 @!p0 s1  }
0x4c: {  	[bflag:$0x3] =	sbarrier.arrive $0xFFFF  }
0x4d: {  	_ =	shalt  }

</sc_bundles>
